<compile_context>
chip_gen: v7x
topology: tpu7x:2x2x1
jax: 0.10.2.dev20260603
libtpu: 0.0.44.dev20260713+nightly
codegen_flags: <defaults>
</compile_context>

<pallas_src>
import functools
import math

import jax
import jax.numpy as jnp
from jax import lax
from jax.experimental import pallas as pl
from jax.experimental.pallas import tpu as pltpu
from jax.experimental.pallas import tpu_sc as plsc

D = 64
LANES = 16
CHUNK = 128
NBUF = 4
NC, NS = 2, 16
NW = NC * NS


def _emb_sc(x_rows, table):
    n_rows = x_rows.shape[0]
    rows_per_w = n_rows // NW
    ngroups = rows_per_w // NBUF
    scale = jnp.float32(math.sqrt(float(D)))
    mesh = plsc.VectorSubcoreMesh(core_axis_name="c", subcore_axis_name="s")

    @functools.partial(
        pl.kernel,
        out_type=jax.ShapeDtypeStruct((n_rows * CHUNK, D), jnp.float32),
        mesh=mesh,
        scratch_types=[
            pltpu.VMEM((rows_per_w, CHUNK), jnp.int32),
            pltpu.VMEM((NBUF, CHUNK, D), jnp.float32),
            pltpu.VMEM((NBUF, CHUNK, D), jnp.float32),
            pltpu.SemaphoreType.DMA,
            pltpu.SemaphoreType.DMA,
        ],
        compiler_params=pltpu.CompilerParams(use_tc_tiling_on_sc=False),
    )
    def k(x_hbm, table_hbm, out_hbm, idx_v, inb, outb, gsem, osem):
        c = lax.axis_index("c")
        s = lax.axis_index("s")
        wid = s * NC + c
        row0 = wid * rows_per_w
        pltpu.sync_copy(x_hbm.at[pl.ds(row0, rows_per_w)], idx_v)

        def gather(j, b):
            pltpu.async_copy(table_hbm.at[idx_v.at[j]], inb.at[b], gsem)

        def gather_wait(j, b):
            del j
            pltpu.make_async_copy(
                table_hbm.at[pl.ds(0, CHUNK)], inb.at[b], gsem
            ).wait()

        def out_copy(j, b):
            pltpu.async_copy(
                outb.at[b], out_hbm.at[pl.ds((row0 + j) * CHUNK, CHUNK)], osem
            )

        def out_wait(j, b):
            pltpu.make_async_copy(
                outb.at[b], out_hbm.at[pl.ds((row0 + j) * CHUNK, CHUNK)], osem
            ).wait()

        for b in range(NBUF):
            gather(b, b)

        def group(g, carry):
            j0 = g * NBUF
            for b in range(NBUF):
                j = j0 + b
                gather_wait(j, b)

                @pl.when(g > 0)
                def _(b=b, j=j):
                    out_wait(j - NBUF, b)

                def mul(rq, carry, b=b):
                    for u in range(4):
                        r = rq * 4 + u
                        for kk in range(D // LANES):
                            sl = pl.ds(kk * LANES, LANES)
                            outb[b, r, sl] = inb[b, r, sl] * scale
                    return carry

                lax.fori_loop(0, CHUNK // 4, mul, 0)

                out_copy(j, b)

                @pl.when(g + 1 < ngroups)
                def _(b=b, j=j):
                    gather(j + NBUF, b)

            return carry

        lax.fori_loop(0, ngroups, group, 0)

        for b in range(NBUF):
            out_wait((ngroups - 1) * NBUF + b, b)

    return k(x_rows, table)


def kernel(x, table):
    b, s = x.shape
    n = b * s
    x_rows = x.reshape(n // CHUNK, CHUNK).astype(jnp.int32)
    out = _emb_sc(x_rows, table)
    return out.reshape(b, s, D)

# --- scband reference (transcript-rebuilt; emitter-appended) ---
"""Pipeline reference for scband-token-embedding-53197464928435 (READ-ONLY COPY).

The authoritative reference and input builder live on the scoring server;
editing this copy changes nothing except your own understanding.
"""

import jax, jax.numpy as jnp
import numpy as np

VOCAB = 1000000
D_MODEL = 64
PADDING_IDX = 0

def setup_inputs(seed: int = 0) -> dict:
    key = jax.random.key(seed)
    k1, k2 = jax.random.split(key)
    x = jax.random.randint(k1, (4096, 200), 0, VOCAB, dtype=jnp.int64 if jax.config.jax_enable_x64 else jnp.int32)
    table = jax.random.normal(k2, (VOCAB, D_MODEL), dtype=jnp.float32) * (D_MODEL ** -0.5)
    table = table.at[PADDING_IDX].set(0.0)
    return {"x": x, "table": table}

def reference(x, table):
    d_model = table.shape[1]
    emb = jnp.take(table, x, axis=0)
    return emb * np.sqrt(float(d_model)).astype(np.float32)

if __name__ == "__main__":
    import jax
    _d = setup_inputs()
    print(jax.jit(kernel)(*tuple(_d.values())))

</pallas_src>

<mosaic_0001>
#map = affine_map<(d0, d1) -> (0, 0)>
#map1 = affine_map<(d0, d1) -> (0)>
module attributes {stable_mosaic.version = 14 : i64} {
  func.func @_rewritten_body(%arg0: i32, %arg1: i32, %arg2: memref<6400x128xi32, #tpu.memory_space<hbm>>, %arg3: memref<1000000x64xf32, #tpu.memory_space<hbm>>, %arg4: memref<1xf32, #tpu.memory_space<hbm>>, %arg5: memref<819200x64xf32, #tpu.memory_space<hbm>>, %arg6: memref<200x128xi32, #tpu.memory_space<vmem>>, %arg7: memref<4x128x64xf32, #tpu.memory_space<vmem>>, %arg8: memref<4x128x64xf32, #tpu.memory_space<vmem>>, %arg9: memref<!tpu.dma_semaphore, #tpu.memory_space<semaphore_mem>>, %arg10: memref<!tpu.dma_semaphore, #tpu.memory_space<semaphore_mem>>) attributes {dimension_semantics = [#tpu.dimension_semantics<core_parallel>, #tpu.dimension_semantics<subcore_parallel>], iteration_bounds = array<i64: 2, 16>, scalar_prefetch = 0 : i64, scratch_operands = 5 : i64, tpu.core_type = #tpu.core_type<sc_vector_subcore>, window_params = [{transform_indices = #map}, {transform_indices = #map}, {transform_indices = #map1}, {transform_indices = #map}]} {
    %empty_ref3A = memref.alloca() : memref<16xf32, #tpu.memory_space<vmem>>
    "tpu.region"() ({
      %run_scoped3A = tpu.sem_alloc : memref<!tpu.dma_semaphore, #tpu.memory_space<semaphore_mem>>
      %dma_start3A_124 = arith.constant 0 : i32
      %dma_start3A_125 = tpu.memref_slice %empty_ref3A[%dma_start3A_124] : memref<16xf32, #tpu.memory_space<vmem>> -> memref<1xf32, #tpu.memory_space<vmem>>
      %dma_start3A_126 = arith.constant 0 : i32
      %dma_start3A_127 = tpu.memref_slice %empty_ref3A[%dma_start3A_126] : memref<16xf32, #tpu.memory_space<vmem>> -> memref<1xf32, #tpu.memory_space<vmem>>
      tpu.enqueue_dma source(%arg4 : memref<1xf32, #tpu.memory_space<hbm>>) target(%dma_start3A_127 : memref<1xf32, #tpu.memory_space<vmem>>) target_semaphore(%run_scoped3A : memref<!tpu.dma_semaphore, #tpu.memory_space<semaphore_mem>>)
      %dma_wait3A_128 = arith.constant 0 : i32
      %dma_wait3A_129 = tpu.memref_slice %empty_ref3A[%dma_wait3A_128] : memref<16xf32, #tpu.memory_space<vmem>> -> memref<1xf32, #tpu.memory_space<vmem>>
      %dma_wait3A_130 = arith.constant 0 : i32
      %dma_wait3A_131 = tpu.memref_slice %empty_ref3A[%dma_wait3A_130] : memref<16xf32, #tpu.memory_space<vmem>> -> memref<1xf32, #tpu.memory_space<vmem>>
      tpu.wait_dma2 semaphore(%run_scoped3A : memref<!tpu.dma_semaphore, #tpu.memory_space<semaphore_mem>>) src(%arg4 : memref<1xf32, #tpu.memory_space<hbm>>) dst(%dma_wait3A_131 : memref<1xf32, #tpu.memory_space<vmem>>)
      tpu.yield
    }) : () -> ()
    %get3A = arith.constant 0 : index
    %get3A_0 = tpu.vector_load %empty_ref3A[%get3A] {strides = array<i32>} : memref<16xf32, #tpu.memory_space<vmem>>, vector<16xf32>,
    %get3A_1 = vector.shape_cast %get3A_0 : vector<16xf32> to vector<16xf32>
    %slice3A = vector.extract_strided_slice %get3A_1 {offsets = [0], sizes = [1], strides = [1]} : vector<16xf32> to vector<1xf32>
    %squeeze3A = vector.extract %slice3A[0] : f32 from vector<1xf32>
    %mul3A = arith.constant 2 : i32
    %mul3A_2 = arith.muli %arg1, %mul3A : i32
    %add3A = arith.addi %mul3A_2, %arg0 : i32
    %mul3A_3 = arith.constant 200 : i32
    %mul3A_4 = arith.muli %add3A, %mul3A_3 : i32
    "tpu.region"() ({
      %run_scoped3A = tpu.sem_alloc : memref<!tpu.dma_semaphore, #tpu.memory_space<semaphore_mem>>
      %dma_start3A_124 = arith.constant 0 : i32
      %dma_start3A_125 = tpu.memref_slice %arg2[%mul3A_4, %dma_start3A_124] : memref<6400x128xi32, #tpu.memory_space<hbm>> -> memref<200x128xi32, #tpu.memory_space<hbm>>
      %dma_start3A_126 = arith.constant 0 : i32
      %dma_start3A_127 = tpu.memref_slice %arg2[%mul3A_4, %dma_start3A_126] : memref<6400x128xi32, #tpu.memory_space<hbm>> -> memref<200x128xi32, #tpu.memory_space<hbm>>
      tpu.enqueue_dma source(%dma_start3A_127 : memref<200x128xi32, #tpu.memory_space<hbm>>) target(%arg6 : memref<200x128xi32, #tpu.memory_space<vmem>>) target_semaphore(%run_scoped3A : memref<!tpu.dma_semaphore, #tpu.memory_space<semaphore_mem>>)
      %dma_wait3A_128 = arith.constant 0 : i32
      %dma_wait3A_129 = tpu.memref_slice %arg2[%mul3A_4, %dma_wait3A_128] : memref<6400x128xi32, #tpu.memory_space<hbm>> -> memref<200x128xi32, #tpu.memory_space<hbm>>
      %dma_wait3A_130 = arith.constant 0 : i32
      %dma_wait3A_131 = tpu.memref_slice %arg2[%mul3A_4, %dma_wait3A_130] : memref<6400x128xi32, #tpu.memory_space<hbm>> -> memref<200x128xi32, #tpu.memory_space<hbm>>
      tpu.wait_dma2 semaphore(%run_scoped3A : memref<!tpu.dma_semaphore, #tpu.memory_space<semaphore_mem>>) src(%dma_wait3A_131 : memref<200x128xi32, #tpu.memory_space<hbm>>) dst(%arg6 : memref<200x128xi32, #tpu.memory_space<vmem>>)
      tpu.yield
    }) : () -> ()
    %dma_start3A = arith.constant 0 : i32
    %dma_start3A_5 = arith.constant 0 : i32
    %dma_start3A_6 = arith.constant 0 : i32
    %dma_start3A_7 = arith.constant 0 : i32
    %dma_start3A_8 = tpu.memref_slice %arg7[%dma_start3A_5, %dma_start3A_6, %dma_start3A_7] : memref<4x128x64xf32, #tpu.memory_space<vmem>> -> memref<1x128x64xf32, #tpu.memory_space<vmem>>
    %dma_start3A_9 = tpu.memref_squeeze %dma_start3A_8 : memref<1x128x64xf32, #tpu.memory_space<vmem>> -> memref<128x64xf32, #tpu.memory_space<vmem>>
    %dma_start3A_10 = arith.constant 0 : i32
    %dma_start3A_11 = tpu.memref_slice %arg6[%dma_start3A, %dma_start3A_10] : memref<200x128xi32, #tpu.memory_space<vmem>> -> memref<1x128xi32, #tpu.memory_space<vmem>>
    %dma_start3A_12 = tpu.memref_squeeze %dma_start3A_11 : memref<1x128xi32, #tpu.memory_space<vmem>> -> memref<128xi32, #tpu.memory_space<vmem>>
    %dma_start3A_13 = arith.constant 0 : i32
    %dma_start3A_14 = arith.constant 0 : i32
    %dma_start3A_15 = tpu.memref_slice %arg3[%dma_start3A_13, %dma_start3A_14] : memref<1000000x64xf32, #tpu.memory_space<hbm>> -> memref<1000000x64xf32, #tpu.memory_space<hbm>>
    tpu.enqueue_indirect_dma source(%dma_start3A_15 : memref<1000000x64xf32, #tpu.memory_space<hbm>>) target(%dma_start3A_9 : memref<128x64xf32, #tpu.memory_space<vmem>>) offsets(%dma_start3A_12 : memref<128xi32, #tpu.memory_space<vmem>>) semaphore(%arg9 : memref<!tpu.dma_semaphore, #tpu.memory_space<semaphore_mem>>)
    %dma_start3A_16 = arith.constant 1 : i32
    %dma_start3A_17 = arith.constant 1 : i32
    %dma_start3A_18 = arith.constant 0 : i32
    %dma_start3A_19 = arith.constant 0 : i32
    %dma_start3A_20 = tpu.memref_slice %arg7[%dma_start3A_17, %dma_start3A_18, %dma_start3A_19] : memref<4x128x64xf32, #tpu.memory_space<vmem>> -> memref<1x128x64xf32, #tpu.memory_space<vmem>>
    %dma_start3A_21 = tpu.memref_squeeze %dma_start3A_20 : memref<1x128x64xf32, #tpu.memory_space<vmem>> -> memref<128x64xf32, #tpu.memory_space<vmem>>
    %dma_start3A_22 = arith.constant 0 : i32
    %dma_start3A_23 = tpu.memref_slice %arg6[%dma_start3A_16, %dma_start3A_22] : memref<200x128xi32, #tpu.memory_space<vmem>> -> memref<1x128xi32, #tpu.memory_space<vmem>>
    %dma_start3A_24 = tpu.memref_squeeze %dma_start3A_23 : memref<1x128xi32, #tpu.memory_space<vmem>> -> memref<128xi32, #tpu.memory_space<vmem>>
    %dma_start3A_25 = arith.constant 0 : i32
    %dma_start3A_26 = arith.constant 0 : i32
    %dma_start3A_27 = tpu.memref_slice %arg3[%dma_start3A_25, %dma_start3A_26] : memref<1000000x64xf32, #tpu.memory_space<hbm>> -> memref<1000000x64xf32, #tpu.memory_space<hbm>>
    tpu.enqueue_indirect_dma source(%dma_start3A_27 : memref<1000000x64xf32, #tpu.memory_space<hbm>>) target(%dma_start3A_21 : memref<128x64xf32, #tpu.memory_space<vmem>>) offsets(%dma_start3A_24 : memref<128xi32, #tpu.memory_space<vmem>>) semaphore(%arg9 : memref<!tpu.dma_semaphore, #tpu.memory_space<semaphore_mem>>)
    %dma_start3A_28 = arith.constant 2 : i32
    %dma_start3A_29 = arith.constant 2 : i32
    %dma_start3A_30 = arith.constant 0 : i32
    %dma_start3A_31 = arith.constant 0 : i32
    %dma_start3A_32 = tpu.memref_slice %arg7[%dma_start3A_29, %dma_start3A_30, %dma_start3A_31] : memref<4x128x64xf32, #tpu.memory_space<vmem>> -> memref<1x128x64xf32, #tpu.memory_space<vmem>>
    %dma_start3A_33 = tpu.memref_squeeze %dma_start3A_32 : memref<1x128x64xf32, #tpu.memory_space<vmem>> -> memref<128x64xf32, #tpu.memory_space<vmem>>
    %dma_start3A_34 = arith.constant 0 : i32
    %dma_start3A_35 = tpu.memref_slice %arg6[%dma_start3A_28, %dma_start3A_34] : memref<200x128xi32, #tpu.memory_space<vmem>> -> memref<1x128xi32, #tpu.memory_space<vmem>>
    %dma_start3A_36 = tpu.memref_squeeze %dma_start3A_35 : memref<1x128xi32, #tpu.memory_space<vmem>> -> memref<128xi32, #tpu.memory_space<vmem>>
    %dma_start3A_37 = arith.constant 0 : i32
    %dma_start3A_38 = arith.constant 0 : i32
    %dma_start3A_39 = tpu.memref_slice %arg3[%dma_start3A_37, %dma_start3A_38] : memref<1000000x64xf32, #tpu.memory_space<hbm>> -> memref<1000000x64xf32, #tpu.memory_space<hbm>>
    tpu.enqueue_indirect_dma source(%dma_start3A_39 : memref<1000000x64xf32, #tpu.memory_space<hbm>>) target(%dma_start3A_33 : memref<128x64xf32, #tpu.memory_space<vmem>>) offsets(%dma_start3A_36 : memref<128xi32, #tpu.memory_space<vmem>>) semaphore(%arg9 : memref<!tpu.dma_semaphore, #tpu.memory_space<semaphore_mem>>)
    %dma_start3A_40 = arith.constant 3 : i32
    %dma_start3A_41 = arith.constant 3 : i32
    %dma_start3A_42 = arith.constant 0 : i32
    %dma_start3A_43 = arith.constant 0 : i32
    %dma_start3A_44 = tpu.memref_slice %arg7[%dma_start3A_41, %dma_start3A_42, %dma_start3A_43] : memref<4x128x64xf32, #tpu.memory_space<vmem>> -> memref<1x128x64xf32, #tpu.memory_space<vmem>>
    %dma_start3A_45 = tpu.memref_squeeze %dma_start3A_44 : memref<1x128x64xf32, #tpu.memory_space<vmem>> -> memref<128x64xf32, #tpu.memory_space<vmem>>
    %dma_start3A_46 = arith.constant 0 : i32
    %dma_start3A_47 = tpu.memref_slice %arg6[%dma_start3A_40, %dma_start3A_46] : memref<200x128xi32, #tpu.memory_space<vmem>> -> memref<1x128xi32, #tpu.memory_space<vmem>>
    %dma_start3A_48 = tpu.memref_squeeze %dma_start3A_47 : memref<1x128xi32, #tpu.memory_space<vmem>> -> memref<128xi32, #tpu.memory_space<vmem>>
    %dma_start3A_49 = arith.constant 0 : i32
    %dma_start3A_50 = arith.constant 0 : i32
    %dma_start3A_51 = tpu.memref_slice %arg3[%dma_start3A_49, %dma_start3A_50] : memref<1000000x64xf32, #tpu.memory_space<hbm>> -> memref<1000000x64xf32, #tpu.memory_space<hbm>>
    tpu.enqueue_indirect_dma source(%dma_start3A_51 : memref<1000000x64xf32, #tpu.memory_space<hbm>>) target(%dma_start3A_45 : memref<128x64xf32, #tpu.memory_space<vmem>>) offsets(%dma_start3A_48 : memref<128xi32, #tpu.memory_space<vmem>>) semaphore(%arg9 : memref<!tpu.dma_semaphore, #tpu.memory_space<semaphore_mem>>)
    %scan3A = arith.constant 0 : i32
    %scan3A_52 = arith.constant 0 : i32
    %scan3A_53 = arith.constant 50 : i32
    %scan3A_54 = arith.addi %scan3A_52, %scan3A_53 : i32
    %scan3A_55 = arith.constant 1 : i32
    scf.for %scan3A_124 = %scan3A_52 to %scan3A_54 step %scan3A_55  : i32 {
      %mul3A_125 = arith.constant 4 : i32
      %mul3A_126 = arith.muli %scan3A_124, %mul3A_125 : i32
      %add3A_127 = arith.constant 0 : i32
      %add3A_128 = arith.addi %mul3A_126, %add3A_127 : i32
      %dma_wait3A_129 = arith.constant 0 : i32
      %dma_wait3A_130 = arith.constant 0 : i32
      %dma_wait3A_131 = arith.constant 0 : i32
      %dma_wait3A_132 = tpu.memref_slice %arg7[%dma_wait3A_129, %dma_wait3A_130, %dma_wait3A_131] : memref<4x128x64xf32, #tpu.memory_space<vmem>> -> memref<1x128x64xf32, #tpu.memory_space<vmem>>
      %dma_wait3A_133 = tpu.memref_squeeze %dma_wait3A_132 : memref<1x128x64xf32, #tpu.memory_space<vmem>> -> memref<128x64xf32, #tpu.memory_space<vmem>>
      %dma_wait3A_134 = arith.constant 0 : i32
      %dma_wait3A_135 = arith.constant 0 : i32
      %dma_wait3A_136 = tpu.memref_slice %arg3[%dma_wait3A_134, %dma_wait3A_135] : memref<1000000x64xf32, #tpu.memory_space<hbm>> -> memref<128x64xf32, #tpu.memory_space<hbm>>
      %dma_wait3A_137 = arith.constant 0 : i32
      %dma_wait3A_138 = arith.constant 0 : i32
      %dma_wait3A_139 = tpu.memref_slice %arg7[%dma_wait3A_129, %dma_wait3A_137, %dma_wait3A_138] : memref<4x128x64xf32, #tpu.memory_space<vmem>> -> memref<1x128x64xf32, #tpu.memory_space<vmem>>
      %dma_wait3A_140 = tpu.memref_squeeze %dma_wait3A_139 : memref<1x128x64xf32, #tpu.memory_space<vmem>> -> memref<128x64xf32, #tpu.memory_space<vmem>>
      %dma_wait3A_141 = arith.constant 0 : i32
      %dma_wait3A_142 = arith.constant 0 : i32
      %dma_wait3A_143 = tpu.memref_slice %arg3[%dma_wait3A_141, %dma_wait3A_142] : memref<1000000x64xf32, #tpu.memory_space<hbm>> -> memref<128x64xf32, #tpu.memory_space<hbm>>
      tpu.wait_dma2 semaphore(%arg9 : memref<!tpu.dma_semaphore, #tpu.memory_space<semaphore_mem>>) src(%dma_wait3A_143 : memref<128x64xf32, #tpu.memory_space<hbm>>) dst(%dma_wait3A_140 : memref<128x64xf32, #tpu.memory_space<vmem>>)
      %gt3A = arith.constant 0 : i32
      %gt3A_144 = arith.cmpi sgt, %scan3A_124, %gt3A : i32
      %convert_element_type3A = arith.extui %gt3A_144 : i1 to i32
      %cond3A = arith.constant 0 : i32
      %cond3A_145 = arith.cmpi ne, %convert_element_type3A, %cond3A : i32
      scf.if %cond3A_145 {
        %sub3A = arith.constant 4 : i32
        %sub3A_327 = arith.subi %add3A_128, %sub3A : i32
        %add3A_328 = arith.addi %mul3A_4, %sub3A_327 : i32
        %mul3A_329 = arith.constant 128 : i32
        %mul3A_330 = arith.muli %add3A_328, %mul3A_329 : i32
        %dma_wait3A_331 = arith.constant 0 : i32
        %dma_wait3A_332 = arith.constant 0 : i32
        %dma_wait3A_333 = arith.constant 0 : i32
        %dma_wait3A_334 = tpu.memref_slice %arg8[%dma_wait3A_331, %dma_wait3A_332, %dma_wait3A_333] : memref<4x128x64xf32, #tpu.memory_space<vmem>> -> memref<1x128x64xf32, #tpu.memory_space<vmem>>
        %dma_wait3A_335 = tpu.memref_squeeze %dma_wait3A_334 : memref<1x128x64xf32, #tpu.memory_space<vmem>> -> memref<128x64xf32, #tpu.memory_space<vmem>>
        %dma_wait3A_336 = arith.constant 0 : i32
        %dma_wait3A_337 = tpu.memref_slice %arg5[%mul3A_330, %dma_wait3A_336] : memref<819200x64xf32, #tpu.memory_space<hbm>> -> memref<128x64xf32, #tpu.memory_space<hbm>>
        %dma_wait3A_338 = arith.constant 0 : i32
        %dma_wait3A_339 = tpu.memref_slice %arg5[%mul3A_330, %dma_wait3A_338] : memref<819200x64xf32, #tpu.memory_space<hbm>> -> memref<128x64xf32, #tpu.memory_space<hbm>>
        %dma_wait3A_340 = arith.constant 0 : i32
        %dma_wait3A_341 = arith.constant 0 : i32
        %dma_wait3A_342 = tpu.memref_slice %arg8[%dma_wait3A_331, %dma_wait3A_340, %dma_wait3A_341] : memref<4x128x64xf32, #tpu.memory_space<vmem>> -> memref<1x128x64xf32, #tpu.memory_space<vmem>>
        %dma_wait3A_343 = tpu.memref_squeeze %dma_wait3A_342 : memref<1x128x64xf32, #tpu.memory_space<vmem>> -> memref<128x64xf32, #tpu.memory_space<vmem>>
        tpu.wait_dma2 semaphore(%arg10 : memref<!tpu.dma_semaphore, #tpu.memory_space<semaphore_mem>>) src(%dma_wait3A_343 : memref<128x64xf32, #tpu.memory_space<vmem>>) dst(%dma_wait3A_339 : memref<128x64xf32, #tpu.memory_space<hbm>>)
      } else {
      }
      %scan3A_146 = arith.constant 0 : i32
      %scan3A_147 = arith.constant 0 : i32
      %scan3A_148 = arith.constant 32 : i32
      %scan3A_149 = arith.addi %scan3A_147, %scan3A_148 : i32
      %scan3A_150 = arith.constant 1 : i32
      scf.for %scan3A_327 = %scan3A_147 to %scan3A_149 step %scan3A_150  : i32 {
        %mul3A_328 = arith.constant 4 : i32
        %mul3A_329 = arith.muli %scan3A_327, %mul3A_328 : i32
        %add3A_330 = arith.constant 0 : i32
        %add3A_331 = arith.addi %mul3A_329, %add3A_330 : i32
        %get3A_332 = arith.constant 0 : i32
        %get3A_333 = arith.index_cast %get3A_332 : i32 to index
        %get3A_334 = arith.index_cast %add3A_331 : i32 to index
        %get3A_335 = arith.constant 0 : index
        %get3A_336 = tpu.vector_load %arg7[%get3A_333, %get3A_334, %get3A_335] {strides = array<i32>} : memref<4x128x64xf32, #tpu.memory_space<vmem>>, vector<1x1x16xf32>,
        %get3A_337 = vector.shape_cast %get3A_336 : vector<1x1x16xf32> to vector<16xf32>
        %mul3A_338 = vector.broadcast %squeeze3A : f32 to vector<16xf32>
        %mul3A_339 = arith.mulf %get3A_337, %mul3A_338 : vector<16xf32>
        %swap3A = arith.constant 0 : i32
        %swap3A_340 = arith.index_cast %swap3A : i32 to index
        %swap3A_341 = arith.index_cast %add3A_331 : i32 to index
        %swap3A_342 = arith.constant 0 : index
        %swap3A_343 = tpu.vector_load %arg8[%swap3A_340, %swap3A_341, %swap3A_342] {strides = array<i32>} : memref<4x128x64xf32, #tpu.memory_space<vmem>>, vector<1x1x16xf32>,
        %swap3A_344 = vector.shape_cast %swap3A_343 : vector<1x1x16xf32> to vector<16xf32>
        %swap3A_345 = vector.shape_cast %mul3A_339 : vector<16xf32> to vector<1x1x16xf32>
        tpu.vector_store %arg8[%swap3A_340, %swap3A_341, %swap3A_342], %swap3A_345 {strides = array<i32>} : memref<4x128x64xf32, #tpu.memory_space<vmem>>, vector<1x1x16xf32>,
        %get3A_346 = arith.constant 0 : i32
        %get3A_347 = arith.index_cast %get3A_346 : i32 to index
        %get3A_348 = arith.index_cast %add3A_331 : i32 to index
        %get3A_349 = arith.constant 16 : index
        %get3A_350 = tpu.vector_load %arg7[%get3A_347, %get3A_348, %get3A_349] {strides = array<i32>} : memref<4x128x64xf32, #tpu.memory_space<vmem>>, vector<1x1x16xf32>,
        %get3A_351 = vector.shape_cast %get3A_350 : vector<1x1x16xf32> to vector<16xf32>
        %mul3A_352 = vector.broadcast %squeeze3A : f32 to vector<16xf32>
        %mul3A_353 = arith.mulf %get3A_351, %mul3A_352 : vector<16xf32>
        %swap3A_354 = arith.constant 0 : i32
        %swap3A_355 = arith.index_cast %swap3A_354 : i32 to index
        %swap3A_356 = arith.index_cast %add3A_331 : i32 to index
        %swap3A_357 = arith.constant 16 : index
        %swap3A_358 = tpu.vector_load %arg8[%swap3A_355, %swap3A_356, %swap3A_357] {strides = array<i32>} : memref<4x128x64xf32, #tpu.memory_space<vmem>>, vector<1x1x16xf32>,
        %swap3A_359 = vector.shape_cast %swap3A_358 : vector<1x1x16xf32> to vector<16xf32>
        %swap3A_360 = vector.shape_cast %mul3A_353 : vector<16xf32> to vector<1x1x16xf32>
        tpu.vector_store %arg8[%swap3A_355, %swap3A_356, %swap3A_357], %swap3A_360 {strides = array<i32>} : memref<4x128x64xf32, #tpu.memory_space<vmem>>, vector<1x1x16xf32>,
        %get3A_361 = arith.constant 0 : i32
        %get3A_362 = arith.index_cast %get3A_361 : i32 to index
        %get3A_363 = arith.index_cast %add3A_331 : i32 to index
        %get3A_364 = arith.constant 32 : index
        %get3A_365 = tpu.vector_load %arg7[%get3A_362, %get3A_363, %get3A_364] {strides = array<i32>} : memref<4x128x64xf32, #tpu.memory_space<vmem>>, vector<1x1x16xf32>,
        %get3A_366 = vector.shape_cast %get3A_365 : vector<1x1x16xf32> to vector<16xf32>
        %mul3A_367 = vector.broadcast %squeeze3A : f32 to vector<16xf32>
        %mul3A_368 = arith.mulf %get3A_366, %mul3A_367 : vector<16xf32>
        %swap3A_369 = arith.constant 0 : i32
        %swap3A_370 = arith.index_cast %swap3A_369 : i32 to index
        %swap3A_371 = arith.index_cast %add3A_331 : i32 to index
        %swap3A_372 = arith.constant 32 : index
        %swap3A_373 = tpu.vector_load %arg8[%swap3A_370, %swap3A_371, %swap3A_372] {strides = array<i32>} : memref<4x128x64xf32, #tpu.memory_space<vmem>>, vector<1x1x16xf32>,
        %swap3A_374 = vector.shape_cast %swap3A_373 : vector<1x1x16xf32> to vector<16xf32>
        %swap3A_375 = vector.shape_cast %mul3A_368 : vector<16xf32> to vector<1x1x16xf32>
        tpu.vector_store %arg8[%swap3A_370, %swap3A_371, %swap3A_372], %swap3A_375 {strides = array<i32>} : memref<4x128x64xf32, #tpu.memory_space<vmem>>, vector<1x1x16xf32>,
        %get3A_376 = arith.constant 0 : i32
        %get3A_377 = arith.index_cast %get3A_376 : i32 to index
        %get3A_378 = arith.index_cast %add3A_331 : i32 to index
        %get3A_379 = arith.constant 48 : index
        %get3A_380 = tpu.vector_load %arg7[%get3A_377, %get3A_378, %get3A_379] {strides = array<i32>} : memref<4x128x64xf32, #tpu.memory_space<vmem>>, vector<1x1x16xf32>,
        %get3A_381 = vector.shape_cast %get3A_380 : vector<1x1x16xf32> to vector<16xf32>
        %mul3A_382 = vector.broadcast %squeeze3A : f32 to vector<16xf32>
        %mul3A_383 = arith.mulf %get3A_381, %mul3A_382 : vector<16xf32>
        %swap3A_384 = arith.constant 0 : i32
        %swap3A_385 = arith.index_cast %swap3A_384 : i32 to index
        %swap3A_386 = arith.index_cast %add3A_331 : i32 to index
        %swap3A_387 = arith.constant 48 : index
        %swap3A_388 = tpu.vector_load %arg8[%swap3A_385, %swap3A_386, %swap3A_387] {strides = array<i32>} : memref<4x128x64xf32, #tpu.memory_space<vmem>>, vector<1x1x16xf32>,
        %swap3A_389 = vector.shape_cast %swap3A_388 : vector<1x1x16xf32> to vector<16xf32>
        %swap3A_390 = vector.shape_cast %mul3A_383 : vector<16xf32> to vector<1x1x16xf32>
        tpu.vector_store %arg8[%swap3A_385, %swap3A_386, %swap3A_387], %swap3A_390 {strides = array<i32>} : memref<4x128x64xf32, #tpu.memory_space<vmem>>, vector<1x1x16xf32>,
        %mul3A_391 = arith.constant 4 : i32
        %mul3A_392 = arith.muli %scan3A_327, %mul3A_391 : i32
        %add3A_393 = arith.constant 1 : i32
        %add3A_394 = arith.addi %mul3A_392, %add3A_393 : i32
        %get3A_395 = arith.constant 0 : i32
        %get3A_396 = arith.index_cast %get3A_395 : i32 to index
        %get3A_397 = arith.index_cast %add3A_394 : i32 to index
        %get3A_398 = arith.constant 0 : index
        %get3A_399 = tpu.vector_load %arg7[%get3A_396, %get3A_397, %get3A_398] {strides = array<i32>} : memref<4x128x64xf32, #tpu.memory_space<vmem>>, vector<1x1x16xf32>,
        %get3A_400 = vector.shape_cast %get3A_399 : vector<1x1x16xf32> to vector<16xf32>
        %mul3A_401 = vector.broadcast %squeeze3A : f32 to vector<16xf32>
        %mul3A_402 = arith.mulf %get3A_400, %mul3A_401 : vector<16xf32>
        %swap3A_403 = arith.constant 0 : i32
        %swap3A_404 = arith.index_cast %swap3A_403 : i32 to index
        %swap3A_405 = arith.index_cast %add3A_394 : i32 to index
        %swap3A_406 = arith.constant 0 : index
        %swap3A_407 = tpu.vector_load %arg8[%swap3A_404, %swap3A_405, %swap3A_406] {strides = array<i32>} : memref<4x128x64xf32, #tpu.memory_space<vmem>>, vector<1x1x16xf32>,
        %swap3A_408 = vector.shape_cast %swap3A_407 : vector<1x1x16xf32> to vector<16xf32>
        %swap3A_409 = vector.shape_cast %mul3A_402 : vector<16xf32> to vector<1x1x16xf32>
        tpu.vector_store %arg8[%swap3A_404, %swap3A_405, %swap3A_406], %swap3A_409 {strides = array<i32>} : memref<4x128x64xf32, #tpu.memory_space<vmem>>, vector<1x1x16xf32>,
        %get3A_410 = arith.constant 0 : i32
        %get3A_411 = arith.index_cast %get3A_410 : i32 to index
        %get3A_412 = arith.index_cast %add3A_394 : i32 to index
        %get3A_413 = arith.constant 16 : index
        %get3A_414 = tpu.vector_load %arg7[%get3A_411, %get3A_412, %get3A_413] {strides = array<i32>} : memref<4x128x64xf32, #tpu.memory_space<vmem>>, vector<1x1x16xf32>,
        %get3A_415 = vector.shape_cast %get3A_414 : vector<1x1x16xf32> to vector<16xf32>
        %mul3A_416 = vector.broadcast %squeeze3A : f32 to vector<16xf32>
        %mul3A_417 = arith.mulf %get3A_415, %mul3A_416 : vector<16xf32>
        %swap3A_418 = arith.constant 0 : i32
        %swap3A_419 = arith.index_cast %swap3A_418 : i32 to index
        %swap3A_420 = arith.index_cast %add3A_394 : i32 to index
        %swap3A_421 = arith.constant 16 : index
        %swap3A_422 = tpu.vector_load %arg8[%swap3A_419, %swap3A_420, %swap3A_421] {strides = array<i32>} : memref<4x128x64xf32, #tpu.memory_space<vmem>>, vector<1x1x16xf32>,
        %swap3A_423 = vector.shape_cast %swap3A_422 : vector<1x1x16xf32> to vector<16xf32>
        %swap3A_424 = vector.shape_cast %mul3A_417 : vector<16xf32> to vector<1x1x16xf32>
        tpu.vector_store %arg8[%swap3A_419, %swap3A_420, %swap3A_421], %swap3A_424 {strides = array<i32>} : memref<4x128x64xf32, #tpu.memory_space<vmem>>, vector<1x1x16xf32>,
        %get3A_425 = arith.constant 0 : i32
        %get3A_426 = arith.index_cast %get3A_425 : i32 to index
        %get3A_427 = arith.index_cast %add3A_394 : i32 to index
        %get3A_428 = arith.constant 32 : index
        %get3A_429 = tpu.vector_load %arg7[%get3A_426, %get3A_427, %get3A_428] {strides = array<i32>} : memref<4x128x64xf32, #tpu.memory_space<vmem>>, vector<1x1x16xf32>,
        %get3A_430 = vector.shape_cast %get3A_429 : vector<1x1x16xf32> to vector<16xf32>
        %mul3A_431 = vector.broadcast %squeeze3A : f32 to vector<16xf32>
        %mul3A_432 = arith.mulf %get3A_430, %mul3A_431 : vector<16xf32>
        %swap3A_433 = arith.constant 0 : i32
        %swap3A_434 = arith.index_cast %swap3A_433 : i32 to index
        %swap3A_435 = arith.index_cast %add3A_394 : i32 to index
        %swap3A_436 = arith.constant 32 : index
        %swap3A_437 = tpu.vector_load %arg8[%swap3A_434, %swap3A_435, %swap3A_436] {strides = array<i32>} : memref<4x128x64xf32, #tpu.memory_space<vmem>>, vector<1x1x16xf32>,
        %swap3A_438 = vector.shape_cast %swap3A_437 : vector<1x1x16xf32> to vector<16xf32>
        %swap3A_439 = vector.shape_cast %mul3A_432 : vector<16xf32> to vector<1x1x16xf32>
        tpu.vector_store %arg8[%swap3A_434, %swap3A_435, %swap3A_436], %swap3A_439 {strides = array<i32>} : memref<4x128x64xf32, #tpu.memory_space<vmem>>, vector<1x1x16xf32>,
        %get3A_440 = arith.constant 0 : i32
        %get3A_441 = arith.index_cast %get3A_440 : i32 to index
        %get3A_442 = arith.index_cast %add3A_394 : i32 to index
        %get3A_443 = arith.constant 48 : index
        %get3A_444 = tpu.vector_load %arg7[%get3A_441, %get3A_442, %get3A_443] {strides = array<i32>} : memref<4x128x64xf32, #tpu.memory_space<vmem>>, vector<1x1x16xf32>,
        %get3A_445 = vector.shape_cast %get3A_444 : vector<1x1x16xf32> to vector<16xf32>
        %mul3A_446 = vector.broadcast %squeeze3A : f32 to vector<16xf32>
        %mul3A_447 = arith.mulf %get3A_445, %mul3A_446 : vector<16xf32>
        %swap3A_448 = arith.constant 0 : i32
        %swap3A_449 = arith.index_cast %swap3A_448 : i32 to index
        %swap3A_450 = arith.index_cast %add3A_394 : i32 to index
        %swap3A_451 = arith.constant 48 : index
        %swap3A_452 = tpu.vector_load %arg8[%swap3A_449, %swap3A_450, %swap3A_451] {strides = array<i32>} : memref<4x128x64xf32, #tpu.memory_space<vmem>>, vector<1x1x16xf32>,
        %swap3A_453 = vector.shape_cast %swap3A_452 : vector<1x1x16xf32> to vector<16xf32>
        %swap3A_454 = vector.shape_cast %mul3A_447 : vector<16xf32> to vector<1x1x16xf32>
        tpu.vector_store %arg8[%swap3A_449, %swap3A_450, %swap3A_451], %swap3A_454 {strides = array<i32>} : memref<4x128x64xf32, #tpu.memory_space<vmem>>, vector<1x1x16xf32>,
        %mul3A_455 = arith.constant 4 : i32
        %mul3A_456 = arith.muli %scan3A_327, %mul3A_455 : i32
        %add3A_457 = arith.constant 2 : i32
        %add3A_458 = arith.addi %mul3A_456, %add3A_457 : i32
        %get3A_459 = arith.constant 0 : i32
        %get3A_460 = arith.index_cast %get3A_459 : i32 to index
        %get3A_461 = arith.index_cast %add3A_458 : i32 to index
        %get3A_462 = arith.constant 0 : index
        %get3A_463 = tpu.vector_load %arg7[%get3A_460, %get3A_461, %get3A_462] {strides = array<i32>} : memref<4x128x64xf32, #tpu.memory_space<vmem>>, vector<1x1x16xf32>,
        %get3A_464 = vector.shape_cast %get3A_463 : vector<1x1x16xf32> to vector<16xf32>
        %mul3A_465 = vector.broadcast %squeeze3A : f32 to vector<16xf32>
        %mul3A_466 = arith.mulf %get3A_464, %mul3A_465 : vector<16xf32>
        %swap3A_467 = arith.constant 0 : i32
        %swap3A_468 = arith.index_cast %swap3A_467 : i32 to index
        %swap3A_469 = arith.index_cast %add3A_458 : i32 to index
        %swap3A_470 = arith.constant 0 : index
        %swap3A_471 = tpu.vector_load %arg8[%swap3A_468, %swap3A_469, %swap3A_470] {strides = array<i32>} : memref<4x128x64xf32, #tpu.memory_space<vmem>>, vector<1x1x16xf32>,
        %swap3A_472 = vector.shape_cast %swap3A_471 : vector<1x1x16xf32> to vector<16xf32>
        %swap3A_473 = vector.shape_cast %mul3A_466 : vector<16xf32> to vector<1x1x16xf32>
        tpu.vector_store %arg8[%swap3A_468, %swap3A_469, %swap3A_470], %swap3A_473 {strides = array<i32>} : memref<4x128x64xf32, #tpu.memory_space<vmem>>, vector<1x1x16xf32>,
        %get3A_474 = arith.constant 0 : i32
        %get3A_475 = arith.index_cast %get3A_474 : i32 to index
        %get3A_476 = arith.index_cast %add3A_458 : i32 to index
        %get3A_477 = arith.constant 16 : index
        %get3A_478 = tpu.vector_load %arg7[%get3A_475, %get3A_476, %get3A_477] {strides = array<i32>} : memref<4x128x64xf32, #tpu.memory_space<vmem>>, vector<1x1x16xf32>,
        %get3A_479 = vector.shape_cast %get3A_478 : vector<1x1x16xf32> to vector<16xf32>
        %mul3A_480 = vector.broadcast %squeeze3A : f32 to vector<16xf32>
        %mul3A_481 = arith.mulf %get3A_479, %mul3A_480 : vector<16xf32>
        %swap3A_482 = arith.constant 0 : i32
        %swap3A_483 = arith.index_cast %swap3A_482 : i32 to index
        %swap3A_484 = arith.index_cast %add3A_458 : i32 to index
        %swap3A_485 = arith.constant 16 : index
        %swap3A_486 = tpu.vector_load %arg8[%swap3A_483, %swap3A_484, %swap3A_485] {strides = array<i32>} : memref<4x128x64xf32, #tpu.memory_space<vmem>>, vector<1x1x16xf32>,
        %swap3A_487 = vector.shape_cast %swap3A_486 : vector<1x1x16xf32> to vector<16xf32>
        %swap3A_488 = vector.shape_cast %mul3A_481 : vector<16xf32> to vector<1x1x16xf32>
        tpu.vector_store %arg8[%swap3A_483, %swap3A_484, %swap3A_485], %swap3A_488 {strides = array<i32>} : memref<4x128x64xf32, #tpu.memory_space<vmem>>, vector<1x1x16xf32>,
        %get3A_489 = arith.constant 0 : i32
        %get3A_490 = arith.index_cast %get3A_489 : i32 to index
        %get3A_491 = arith.index_cast %add3A_458 : i32 to index
        %get3A_492 = arith.constant 32 : index
        %get3A_493 = tpu.vector_load %arg7[%get3A_490, %get3A_491, %get3A_492] {strides = array<i32>} : memref<4x128x64xf32, #tpu.memory_space<vmem>>, vector<1x1x16xf32>,
        %get3A_494 = vector.shape_cast %get3A_493 : vector<1x1x16xf32> to vector<16xf32>
        %mul3A_495 = vector.broadcast %squeeze3A : f32 to vector<16xf32>
        %mul3A_496 = arith.mulf %get3A_494, %mul3A_495 : vector<16xf32>
        %swap3A_497 = arith.constant 0 : i32
        %swap3A_498 = arith.index_cast %swap3A_497 : i32 to index
        %swap3A_499 = arith.index_cast %add3A_458 : i32 to index
        %swap3A_500 = arith.constant 32 : index
        %swap3A_501 = tpu.vector_load %arg8[%swap3A_498, %swap3A_499, %swap3A_500] {strides = array<i32>} : memref<4x128x64xf32, #tpu.memory_space<vmem>>, vector<1x1x16xf32>,
        %swap3A_502 = vector.shape_cast %swap3A_501 : vector<1x1x16xf32> to vector<16xf32>
        %swap3A_503 = vector.shape_cast %mul3A_496 : vector<16xf32> to vector<1x1x16xf32>
        tpu.vector_store %arg8[%swap3A_498, %swap3A_499, %swap3A_500], %swap3A_503 {strides = array<i32>} : memref<4x128x64xf32, #tpu.memory_space<vmem>>, vector<1x1x16xf32>,
        %get3A_504 = arith.constant 0 : i32
        %get3A_505 = arith.index_cast %get3A_504 : i32 to index
        %get3A_506 = arith.index_cast %add3A_458 : i32 to index
        %get3A_507 = arith.constant 48 : index
        %get3A_508 = tpu.vector_load %arg7[%get3A_505, %get3A_506, %get3A_507] {strides = array<i32>} : memref<4x128x64xf32, #tpu.memory_space<vmem>>, vector<1x1x16xf32>,
        %get3A_509 = vector.shape_cast %get3A_508 : vector<1x1x16xf32> to vector<16xf32>
        %mul3A_510 = vector.broadcast %squeeze3A : f32 to vector<16xf32>
        %mul3A_511 = arith.mulf %get3A_509, %mul3A_510 : vector<16xf32>
        %swap3A_512 = arith.constant 0 : i32
        %swap3A_513 = arith.index_cast %swap3A_512 : i32 to index
        %swap3A_514 = arith.index_cast %add3A_458 : i32 to index
        %swap3A_515 = arith.constant 48 : index
        %swap3A_516 = tpu.vector_load %arg8[%swap3A_513, %swap3A_514, %swap3A_515] {strides = array<i32>} : memref<4x128x64xf32, #tpu.memory_space<vmem>>, vector<1x1x16xf32>,
        %swap3A_517 = vector.shape_cast %swap3A_516 : vector<1x1x16xf32> to vector<16xf32>
        %swap3A_518 = vector.shape_cast %mul3A_511 : vector<16xf32> to vector<1x1x16xf32>
        tpu.vector_store %arg8[%swap3A_513, %swap3A_514, %swap3A_515], %swap3A_518 {strides = array<i32>} : memref<4x128x64xf32, #tpu.memory_space<vmem>>, vector<1x1x16xf32>,
        %mul3A_519 = arith.constant 4 : i32
        %mul3A_520 = arith.muli %scan3A_327, %mul3A_519 : i32
        %add3A_521 = arith.constant 3 : i32
        %add3A_522 = arith.addi %mul3A_520, %add3A_521 : i32
        %get3A_523 = arith.constant 0 : i32
        %get3A_524 = arith.index_cast %get3A_523 : i32 to index
        %get3A_525 = arith.index_cast %add3A_522 : i32 to index
        %get3A_526 = arith.constant 0 : index
        %get3A_527 = tpu.vector_load %arg7[%get3A_524, %get3A_525, %get3A_526] {strides = array<i32>} : memref<4x128x64xf32, #tpu.memory_space<vmem>>, vector<1x1x16xf32>,
        %get3A_528 = vector.shape_cast %get3A_527 : vector<1x1x16xf32> to vector<16xf32>
        %mul3A_529 = vector.broadcast %squeeze3A : f32 to vector<16xf32>
        %mul3A_530 = arith.mulf %get3A_528, %mul3A_529 : vector<16xf32>
        %swap3A_531 = arith.constant 0 : i32
        %swap3A_532 = arith.index_cast %swap3A_531 : i32 to index
        %swap3A_533 = arith.index_cast %add3A_522 : i32 to index
        %swap3A_534 = arith.constant 0 : index
        %swap3A_535 = tpu.vector_load %arg8[%swap3A_532, %swap3A_533, %swap3A_534] {strides = array<i32>} : memref<4x128x64xf32, #tpu.memory_space<vmem>>, vector<1x1x16xf32>,
        %swap3A_536 = vector.shape_cast %swap3A_535 : vector<1x1x16xf32> to vector<16xf32>
        %swap3A_537 = vector.shape_cast %mul3A_530 : vector<16xf32> to vector<1x1x16xf32>
        tpu.vector_store %arg8[%swap3A_532, %swap3A_533, %swap3A_534], %swap3A_537 {strides = array<i32>} : memref<4x128x64xf32, #tpu.memory_space<vmem>>, vector<1x1x16xf32>,
        %get3A_538 = arith.constant 0 : i32
        %get3A_539 = arith.index_cast %get3A_538 : i32 to index
        %get3A_540 = arith.index_cast %add3A_522 : i32 to index
        %get3A_541 = arith.constant 16 : index
        %get3A_542 = tpu.vector_load %arg7[%get3A_539, %get3A_540, %get3A_541] {strides = array<i32>} : memref<4x128x64xf32, #tpu.memory_space<vmem>>, vector<1x1x16xf32>,
        %get3A_543 = vector.shape_cast %get3A_542 : vector<1x1x16xf32> to vector<16xf32>
        %mul3A_544 = vector.broadcast %squeeze3A : f32 to vector<16xf32>
        %mul3A_545 = arith.mulf %get3A_543, %mul3A_544 : vector<16xf32>
        %swap3A_546 = arith.constant 0 : i32
        %swap3A_547 = arith.index_cast %swap3A_546 : i32 to index
        %swap3A_548 = arith.index_cast %add3A_522 : i32 to index
        %swap3A_549 = arith.constant 16 : index
        %swap3A_550 = tpu.vector_load %arg8[%swap3A_547, %swap3A_548, %swap3A_549] {strides = array<i32>} : memref<4x128x64xf32, #tpu.memory_space<vmem>>, vector<1x1x16xf32>,
        %swap3A_551 = vector.shape_cast %swap3A_550 : vector<1x1x16xf32> to vector<16xf32>
        %swap3A_552 = vector.shape_cast %mul3A_545 : vector<16xf32> to vector<1x1x16xf32>
        tpu.vector_store %arg8[%swap3A_547, %swap3A_548, %swap3A_549], %swap3A_552 {strides = array<i32>} : memref<4x128x64xf32, #tpu.memory_space<vmem>>, vector<1x1x16xf32>,
        %get3A_553 = arith.constant 0 : i32
        %get3A_554 = arith.index_cast %get3A_553 : i32 to index
        %get3A_555 = arith.index_cast %add3A_522 : i32 to index
        %get3A_556 = arith.constant 32 : index
        %get3A_557 = tpu.vector_load %arg7[%get3A_554, %get3A_555, %get3A_556] {strides = array<i32>} : memref<4x128x64xf32, #tpu.memory_space<vmem>>, vector<1x1x16xf32>,
        %get3A_558 = vector.shape_cast %get3A_557 : vector<1x1x16xf32> to vector<16xf32>
        %mul3A_559 = vector.broadcast %squeeze3A : f32 to vector<16xf32>
        %mul3A_560 = arith.mulf %get3A_558, %mul3A_559 : vector<16xf32>
        %swap3A_561 = arith.constant 0 : i32
        %swap3A_562 = arith.index_cast %swap3A_561 : i32 to index
        %swap3A_563 = arith.index_cast %add3A_522 : i32 to index
        %swap3A_564 = arith.constant 32 : index
        %swap3A_565 = tpu.vector_load %arg8[%swap3A_562, %swap3A_563, %swap3A_564] {strides = array<i32>} : memref<4x128x64xf32, #tpu.memory_space<vmem>>, vector<1x1x16xf32>,
        %swap3A_566 = vector.shape_cast %swap3A_565 : vector<1x1x16xf32> to vector<16xf32>
        %swap3A_567 = vector.shape_cast %mul3A_560 : vector<16xf32> to vector<1x1x16xf32>
        tpu.vector_store %arg8[%swap3A_562, %swap3A_563, %swap3A_564], %swap3A_567 {strides = array<i32>} : memref<4x128x64xf32, #tpu.memory_space<vmem>>, vector<1x1x16xf32>,
        %get3A_568 = arith.constant 0 : i32
        %get3A_569 = arith.index_cast %get3A_568 : i32 to index
        %get3A_570 = arith.index_cast %add3A_522 : i32 to index
        %get3A_571 = arith.constant 48 : index
        %get3A_572 = tpu.vector_load %arg7[%get3A_569, %get3A_570, %get3A_571] {strides = array<i32>} : memref<4x128x64xf32, #tpu.memory_space<vmem>>, vector<1x1x16xf32>,
        %get3A_573 = vector.shape_cast %get3A_572 : vector<1x1x16xf32> to vector<16xf32>
        %mul3A_574 = vector.broadcast %squeeze3A : f32 to vector<16xf32>
        %mul3A_575 = arith.mulf %get3A_573, %mul3A_574 : vector<16xf32>
        %swap3A_576 = arith.constant 0 : i32
        %swap3A_577 = arith.index_cast %swap3A_576 : i32 to index
        %swap3A_578 = arith.index_cast %add3A_522 : i32 to index
        %swap3A_579 = arith.constant 48 : index
        %swap3A_580 = tpu.vector_load %arg8[%swap3A_577, %swap3A_578, %swap3A_579] {strides = array<i32>} : memref<4x128x64xf32, #tpu.memory_space<vmem>>, vector<1x1x16xf32>,
        %swap3A_581 = vector.shape_cast %swap3A_580 : vector<1x1x16xf32> to vector<16xf32>
        %swap3A_582 = vector.shape_cast %mul3A_575 : vector<16xf32> to vector<1x1x16xf32>
        tpu.vector_store %arg8[%swap3A_577, %swap3A_578, %swap3A_579], %swap3A_582 {strides = array<i32>} : memref<4x128x64xf32, #tpu.memory_space<vmem>>, vector<1x1x16xf32>,
      }
      %scan3A_151 = arith.constant 32 : i32
      %add3A_152 = arith.addi %mul3A_4, %add3A_128 : i32
      %mul3A_153 = arith.constant 128 : i32
      %mul3A_154 = arith.muli %add3A_152, %mul3A_153 : i32
      %dma_start3A_155 = arith.constant 0 : i32
      %dma_start3A_156 = arith.constant 0 : i32
      %dma_start3A_157 = arith.constant 0 : i32
      %dma_start3A_158 = tpu.memref_slice %arg8[%dma_start3A_155, %dma_start3A_156, %dma_start3A_157] : memref<4x128x64xf32, #tpu.memory_space<vmem>> -> memref<1x128x64xf32, #tpu.memory_space<vmem>>
      %dma_start3A_159 = tpu.memref_squeeze %dma_start3A_158 : memref<1x128x64xf32, #tpu.memory_space<vmem>> -> memref<128x64xf32, #tpu.memory_space<vmem>>
      %dma_start3A_160 = arith.constant 0 : i32
      %dma_start3A_161 = tpu.memref_slice %arg5[%mul3A_154, %dma_start3A_160] : memref<819200x64xf32, #tpu.memory_space<hbm>> -> memref<128x64xf32, #tpu.memory_space<hbm>>
      %dma_start3A_162 = arith.constant 0 : i32
      %dma_start3A_163 = tpu.memref_slice %arg5[%mul3A_154, %dma_start3A_162] : memref<819200x64xf32, #tpu.memory_space<hbm>> -> memref<128x64xf32, #tpu.memory_space<hbm>>
      %dma_start3A_164 = arith.constant 0 : i32
      %dma_start3A_165 = arith.constant 0 : i32
      %dma_start3A_166 = tpu.memref_slice %arg8[%dma_start3A_155, %dma_start3A_164, %dma_start3A_165] : memref<4x128x64xf32, #tpu.memory_space<vmem>> -> memref<1x128x64xf32, #tpu.memory_space<vmem>>
      %dma_start3A_167 = tpu.memref_squeeze %dma_start3A_166 : memref<1x128x64xf32, #tpu.memory_space<vmem>> -> memref<128x64xf32, #tpu.memory_space<vmem>>
      tpu.enqueue_dma source(%dma_start3A_167 : memref<128x64xf32, #tpu.memory_space<vmem>>) target(%dma_start3A_163 : memref<128x64xf32, #tpu.memory_space<hbm>>) target_semaphore(%arg10 : memref<!tpu.dma_semaphore, #tpu.memory_space<semaphore_mem>>)
      %add3A_168 = arith.constant 1 : i32
      %add3A_169 = arith.addi %scan3A_124, %add3A_168 : i32
      %lt3A = arith.constant 50 : i32
      %lt3A_170 = arith.cmpi slt, %add3A_169, %lt3A : i32
      %convert_element_type3A_171 = arith.extui %lt3A_170 : i1 to i32
      %cond3A_172 = arith.constant 0 : i32
      %cond3A_173 = arith.cmpi ne, %convert_element_type3A_171, %cond3A_172 : i32
      scf.if %cond3A_173 {
        %add3A_327 = arith.constant 4 : i32
        %add3A_328 = arith.addi %add3A_128, %add3A_327 : i32
        %dma_start3A_329 = arith.constant 0 : i32
        %dma_start3A_330 = arith.constant 0 : i32
        %dma_start3A_331 = arith.constant 0 : i32
        %dma_start3A_332 = tpu.memref_slice %arg7[%dma_start3A_329, %dma_start3A_330, %dma_start3A_331] : memref<4x128x64xf32, #tpu.memory_space<vmem>> -> memref<1x128x64xf32, #tpu.memory_space<vmem>>
        %dma_start3A_333 = tpu.memref_squeeze %dma_start3A_332 : memref<1x128x64xf32, #tpu.memory_space<vmem>> -> memref<128x64xf32, #tpu.memory_space<vmem>>
        %dma_start3A_334 = arith.constant 0 : i32
        %dma_start3A_335 = tpu.memref_slice %arg6[%add3A_328, %dma_start3A_334] : memref<200x128xi32, #tpu.memory_space<vmem>> -> memref<1x128xi32, #tpu.memory_space<vmem>>
        %dma_start3A_336 = tpu.memref_squeeze %dma_start3A_335 : memref<1x128xi32, #tpu.memory_space<vmem>> -> memref<128xi32, #tpu.memory_space<vmem>>
        %dma_start3A_337 = arith.constant 0 : i32
        %dma_start3A_338 = arith.constant 0 : i32
        %dma_start3A_339 = tpu.memref_slice %arg3[%dma_start3A_337, %dma_start3A_338] : memref<1000000x64xf32, #tpu.memory_space<hbm>> -> memref<1000000x64xf32, #tpu.memory_space<hbm>>
        tpu.enqueue_indirect_dma source(%dma_start3A_339 : memref<1000000x64xf32, #tpu.memory_space<hbm>>) target(%dma_start3A_333 : memref<128x64xf32, #tpu.memory_space<vmem>>) offsets(%dma_start3A_336 : memref<128xi32, #tpu.memory_space<vmem>>) semaphore(%arg9 : memref<!tpu.dma_semaphore, #tpu.memory_space<semaphore_mem>>)
      } else {
      }
      %add3A_174 = arith.constant 1 : i32
      %add3A_175 = arith.addi %mul3A_126, %add3A_174 : i32
      %dma_wait3A_176 = arith.constant 1 : i32
      %dma_wait3A_177 = arith.constant 0 : i32
      %dma_wait3A_178 = arith.constant 0 : i32
      %dma_wait3A_179 = tpu.memref_slice %arg7[%dma_wait3A_176, %dma_wait3A_177, %dma_wait3A_178] : memref<4x128x64xf32, #tpu.memory_space<vmem>> -> memref<1x128x64xf32, #tpu.memory_space<vmem>>
      %dma_wait3A_180 = tpu.memref_squeeze %dma_wait3A_179 : memref<1x128x64xf32, #tpu.memory_space<vmem>> -> memref<128x64xf32, #tpu.memory_space<vmem>>
      %dma_wait3A_181 = arith.constant 0 : i32
      %dma_wait3A_182 = arith.constant 0 : i32
      %dma_wait3A_183 = tpu.memref_slice %arg3[%dma_wait3A_181, %dma_wait3A_182] : memref<1000000x64xf32, #tpu.memory_space<hbm>> -> memref<128x64xf32, #tpu.memory_space<hbm>>
      %dma_wait3A_184 = arith.constant 0 : i32
      %dma_wait3A_185 = arith.constant 0 : i32
      %dma_wait3A_186 = tpu.memref_slice %arg7[%dma_wait3A_176, %dma_wait3A_184, %dma_wait3A_185] : memref<4x128x64xf32, #tpu.memory_space<vmem>> -> memref<1x128x64xf32, #tpu.memory_space<vmem>>
      %dma_wait3A_187 = tpu.memref_squeeze %dma_wait3A_186 : memref<1x128x64xf32, #tpu.memory_space<vmem>> -> memref<128x64xf32, #tpu.memory_space<vmem>>
      %dma_wait3A_188 = arith.constant 0 : i32
      %dma_wait3A_189 = arith.constant 0 : i32
      %dma_wait3A_190 = tpu.memref_slice %arg3[%dma_wait3A_188, %dma_wait3A_189] : memref<1000000x64xf32, #tpu.memory_space<hbm>> -> memref<128x64xf32, #tpu.memory_space<hbm>>
      tpu.wait_dma2 semaphore(%arg9 : memref<!tpu.dma_semaphore, #tpu.memory_space<semaphore_mem>>) src(%dma_wait3A_190 : memref<128x64xf32, #tpu.memory_space<hbm>>) dst(%dma_wait3A_187 : memref<128x64xf32, #tpu.memory_space<vmem>>)
      %gt3A_191 = arith.constant 0 : i32
      %gt3A_192 = arith.cmpi sgt, %scan3A_124, %gt3A_191 : i32
      %convert_element_type3A_193 = arith.extui %gt3A_192 : i1 to i32
      %cond3A_194 = arith.constant 0 : i32
      %cond3A_195 = arith.cmpi ne, %convert_element_type3A_193, %cond3A_194 : i32
      scf.if %cond3A_195 {
        %sub3A = arith.constant 4 : i32
        %sub3A_327 = arith.subi %add3A_175, %sub3A : i32
        %add3A_328 = arith.addi %mul3A_4, %sub3A_327 : i32
        %mul3A_329 = arith.constant 128 : i32
        %mul3A_330 = arith.muli %add3A_328, %mul3A_329 : i32
        %dma_wait3A_331 = arith.constant 1 : i32
        %dma_wait3A_332 = arith.constant 0 : i32
        %dma_wait3A_333 = arith.constant 0 : i32
        %dma_wait3A_334 = tpu.memref_slice %arg8[%dma_wait3A_331, %dma_wait3A_332, %dma_wait3A_333] : memref<4x128x64xf32, #tpu.memory_space<vmem>> -> memref<1x128x64xf32, #tpu.memory_space<vmem>>
        %dma_wait3A_335 = tpu.memref_squeeze %dma_wait3A_334 : memref<1x128x64xf32, #tpu.memory_space<vmem>> -> memref<128x64xf32, #tpu.memory_space<vmem>>
        %dma_wait3A_336 = arith.constant 0 : i32
        %dma_wait3A_337 = tpu.memref_slice %arg5[%mul3A_330, %dma_wait3A_336] : memref<819200x64xf32, #tpu.memory_space<hbm>> -> memref<128x64xf32, #tpu.memory_space<hbm>>
        %dma_wait3A_338 = arith.constant 0 : i32
        %dma_wait3A_339 = tpu.memref_slice %arg5[%mul3A_330, %dma_wait3A_338] : memref<819200x64xf32, #tpu.memory_space<hbm>> -> memref<128x64xf32, #tpu.memory_space<hbm>>
        %dma_wait3A_340 = arith.constant 0 : i32
        %dma_wait3A_341 = arith.constant 0 : i32
        %dma_wait3A_342 = tpu.memref_slice %arg8[%dma_wait3A_331, %dma_wait3A_340, %dma_wait3A_341] : memref<4x128x64xf32, #tpu.memory_space<vmem>> -> memref<1x128x64xf32, #tpu.memory_space<vmem>>
        %dma_wait3A_343 = tpu.memref_squeeze %dma_wait3A_342 : memref<1x128x64xf32, #tpu.memory_space<vmem>> -> memref<128x64xf32, #tpu.memory_space<vmem>>
        tpu.wait_dma2 semaphore(%arg10 : memref<!tpu.dma_semaphore, #tpu.memory_space<semaphore_mem>>) src(%dma_wait3A_343 : memref<128x64xf32, #tpu.memory_space<vmem>>) dst(%dma_wait3A_339 : memref<128x64xf32, #tpu.memory_space<hbm>>)
      } else {
      }
      %scan3A_196 = arith.constant 0 : i32
      %scan3A_197 = arith.constant 0 : i32
      %scan3A_198 = arith.constant 32 : i32
      %scan3A_199 = arith.addi %scan3A_197, %scan3A_198 : i32
      %scan3A_200 = arith.constant 1 : i32
      scf.for %scan3A_327 = %scan3A_197 to %scan3A_199 step %scan3A_200  : i32 {
        %mul3A_328 = arith.constant 4 : i32
        %mul3A_329 = arith.muli %scan3A_327, %mul3A_328 : i32
        %add3A_330 = arith.constant 0 : i32
        %add3A_331 = arith.addi %mul3A_329, %add3A_330 : i32
        %get3A_332 = arith.constant 1 : i32
        %get3A_333 = arith.index_cast %get3A_332 : i32 to index
        %get3A_334 = arith.index_cast %add3A_331 : i32 to index
        %get3A_335 = arith.constant 0 : index
        %get3A_336 = tpu.vector_load %arg7[%get3A_333, %get3A_334, %get3A_335] {strides = array<i32>} : memref<4x128x64xf32, #tpu.memory_space<vmem>>, vector<1x1x16xf32>,
        %get3A_337 = vector.shape_cast %get3A_336 : vector<1x1x16xf32> to vector<16xf32>
        %mul3A_338 = vector.broadcast %squeeze3A : f32 to vector<16xf32>
        %mul3A_339 = arith.mulf %get3A_337, %mul3A_338 : vector<16xf32>
        %swap3A = arith.constant 1 : i32
        %swap3A_340 = arith.index_cast %swap3A : i32 to index
        %swap3A_341 = arith.index_cast %add3A_331 : i32 to index
        %swap3A_342 = arith.constant 0 : index
        %swap3A_343 = tpu.vector_load %arg8[%swap3A_340, %swap3A_341, %swap3A_342] {strides = array<i32>} : memref<4x128x64xf32, #tpu.memory_space<vmem>>, vector<1x1x16xf32>,
        %swap3A_344 = vector.shape_cast %swap3A_343 : vector<1x1x16xf32> to vector<16xf32>
        %swap3A_345 = vector.shape_cast %mul3A_339 : vector<16xf32> to vector<1x1x16xf32>
        tpu.vector_store %arg8[%swap3A_340, %swap3A_341, %swap3A_342], %swap3A_345 {strides = array<i32>} : memref<4x128x64xf32, #tpu.memory_space<vmem>>, vector<1x1x16xf32>,
        %get3A_346 = arith.constant 1 : i32
        %get3A_347 = arith.index_cast %get3A_346 : i32 to index
        %get3A_348 = arith.index_cast %add3A_331 : i32 to index
        %get3A_349 = arith.constant 16 : index
        %get3A_350 = tpu.vector_load %arg7[%get3A_347, %get3A_348, %get3A_349] {strides = array<i32>} : memref<4x128x64xf32, #tpu.memory_space<vmem>>, vector<1x1x16xf32>,
        %get3A_351 = vector.shape_cast %get3A_350 : vector<1x1x16xf32> to vector<16xf32>
        %mul3A_352 = vector.broadcast %squeeze3A : f32 to vector<16xf32>
        %mul3A_353 = arith.mulf %get3A_351, %mul3A_352 : vector<16xf32>
        %swap3A_354 = arith.constant 1 : i32
        %swap3A_355 = arith.index_cast %swap3A_354 : i32 to index
        %swap3A_356 = arith.index_cast %add3A_331 : i32 to index
        %swap3A_357 = arith.constant 16 : index
        %swap3A_358 = tpu.vector_load %arg8[%swap3A_355, %swap3A_356, %swap3A_357] {strides = array<i32>} : memref<4x128x64xf32, #tpu.memory_space<vmem>>, vector<1x1x16xf32>,
        %swap3A_359 = vector.shape_cast %swap3A_358 : vector<1x1x16xf32> to vector<16xf32>
        %swap3A_360 = vector.shape_cast %mul3A_353 : vector<16xf32> to vector<1x1x16xf32>
        tpu.vector_store %arg8[%swap3A_355, %swap3A_356, %swap3A_357], %swap3A_360 {strides = array<i32>} : memref<4x128x64xf32, #tpu.memory_space<vmem>>, vector<1x1x16xf32>,
        %get3A_361 = arith.constant 1 : i32
        %get3A_362 = arith.index_cast %get3A_361 : i32 to index
        %get3A_363 = arith.index_cast %add3A_331 : i32 to index
        %get3A_364 = arith.constant 32 : index
        %get3A_365 = tpu.vector_load %arg7[%get3A_362, %get3A_363, %get3A_364] {strides = array<i32>} : memref<4x128x64xf32, #tpu.memory_space<vmem>>, vector<1x1x16xf32>,
        %get3A_366 = vector.shape_cast %get3A_365 : vector<1x1x16xf32> to vector<16xf32>
        %mul3A_367 = vector.broadcast %squeeze3A : f32 to vector<16xf32>
        %mul3A_368 = arith.mulf %get3A_366, %mul3A_367 : vector<16xf32>
        %swap3A_369 = arith.constant 1 : i32
        %swap3A_370 = arith.index_cast %swap3A_369 : i32 to index
        %swap3A_371 = arith.index_cast %add3A_331 : i32 to index
        %swap3A_372 = arith.constant 32 : index
        %swap3A_373 = tpu.vector_load %arg8[%swap3A_370, %swap3A_371, %swap3A_372] {strides = array<i32>} : memref<4x128x64xf32, #tpu.memory_space<vmem>>, vector<1x1x16xf32>,
        %swap3A_374 = vector.shape_cast %swap3A_373 : vector<1x1x16xf32> to vector<16xf32>
        %swap3A_375 = vector.shape_cast %mul3A_368 : vector<16xf32> to vector<1x1x16xf32>
        tpu.vector_store %arg8[%swap3A_370, %swap3A_371, %swap3A_372], %swap3A_375 {strides = array<i32>} : memref<4x128x64xf32, #tpu.memory_space<vmem>>, vector<1x1x16xf32>,
        %get3A_376 = arith.constant 1 : i32
        %get3A_377 = arith.index_cast %get3A_376 : i32 to index
        %get3A_378 = arith.index_cast %add3A_331 : i32 to index
        %get3A_379 = arith.constant 48 : index
        %get3A_380 = tpu.vector_load %arg7[%get3A_377, %get3A_378, %get3A_379] {strides = array<i32>} : memref<4x128x64xf32, #tpu.memory_space<vmem>>, vector<1x1x16xf32>,
        %get3A_381 = vector.shape_cast %get3A_380 : vector<1x1x16xf32> to vector<16xf32>
        %mul3A_382 = vector.broadcast %squeeze3A : f32 to vector<16xf32>
        %mul3A_383 = arith.mulf %get3A_381, %mul3A_382 : vector<16xf32>
        %swap3A_384 = arith.constant 1 : i32
        %swap3A_385 = arith.index_cast %swap3A_384 : i32 to index
        %swap3A_386 = arith.index_cast %add3A_331 : i32 to index
        %swap3A_387 = arith.constant 48 : index
        %swap3A_388 = tpu.vector_load %arg8[%swap3A_385, %swap3A_386, %swap3A_387] {strides = array<i32>} : memref<4x128x64xf32, #tpu.memory_space<vmem>>, vector<1x1x16xf32>,
        %swap3A_389 = vector.shape_cast %swap3A_388 : vector<1x1x16xf32> to vector<16xf32>
        %swap3A_390 = vector.shape_cast %mul3A_383 : vector<16xf32> to vector<1x1x16xf32>
        tpu.vector_store %arg8[%swap3A_385, %swap3A_386, %swap3A_387], %swap3A_390 {strides = array<i32>} : memref<4x128x64xf32, #tpu.memory_space<vmem>>, vector<1x1x16xf32>,
        %mul3A_391 = arith.constant 4 : i32
        %mul3A_392 = arith.muli %scan3A_327, %mul3A_391 : i32
        %add3A_393 = arith.constant 1 : i32
        %add3A_394 = arith.addi %mul3A_392, %add3A_393 : i32
        %get3A_395 = arith.constant 1 : i32
        %get3A_396 = arith.index_cast %get3A_395 : i32 to index
        %get3A_397 = arith.index_cast %add3A_394 : i32 to index
        %get3A_398 = arith.constant 0 : index
        %get3A_399 = tpu.vector_load %arg7[%get3A_396, %get3A_397, %get3A_398] {strides = array<i32>} : memref<4x128x64xf32, #tpu.memory_space<vmem>>, vector<1x1x16xf32>,
        %get3A_400 = vector.shape_cast %get3A_399 : vector<1x1x16xf32> to vector<16xf32>
        %mul3A_401 = vector.broadcast %squeeze3A : f32 to vector<16xf32>
        %mul3A_402 = arith.mulf %get3A_400, %mul3A_401 : vector<16xf32>
        %swap3A_403 = arith.constant 1 : i32
        %swap3A_404 = arith.index_cast %swap3A_403 : i32 to index
        %swap3A_405 = arith.index_cast %add3A_394 : i32 to index
        %swap3A_406 = arith.constant 0 : index
        %swap3A_407 = tpu.vector_load %arg8[%swap3A_404, %swap3A_405, %swap3A_406] {strides = array<i32>} : memref<4x128x64xf32, #tpu.memory_space<vmem>>, vector<1x1x16xf32>,
        %swap3A_408 = vector.shape_cast %swap3A_407 : vector<1x1x16xf32> to vector<16xf32>
        %swap3A_409 = vector.shape_cast %mul3A_402 : vector<16xf32> to vector<1x1x16xf32>
        tpu.vector_store %arg8[%swap3A_404, %swap3A_405, %swap3A_406], %swap3A_409 {strides = array<i32>} : memref<4x128x64xf32, #tpu.memory_space<vmem>>, vector<1x1x16xf32>,
        %get3A_410 = arith.constant 1 : i32
        %get3A_411 = arith.index_cast %get3A_410 : i32 to index
        %get3A_412 = arith.index_cast %add3A_394 : i32 to index
        %get3A_413 = arith.constant 16 : index
        %get3A_414 = tpu.vector_load %arg7[%get3A_411, %get3A_412, %get3A_413] {strides = array<i32>} : memref<4x128x64xf32, #tpu.memory_space<vmem>>, vector<1x1x16xf32>,
        %get3A_415 = vector.shape_cast %get3A_414 : vector<1x1x16xf32> to vector<16xf32>
        %mul3A_416 = vector.broadcast %squeeze3A : f32 to vector<16xf32>
        %mul3A_417 = arith.mulf %get3A_415, %mul3A_416 : vector<16xf32>
        %swap3A_418 = arith.constant 1 : i32
        %swap3A_419 = arith.index_cast %swap3A_418 : i32 to index
        %swap3A_420 = arith.index_cast %add3A_394 : i32 to index
        %swap3A_421 = arith.constant 16 : index
        %swap3A_422 = tpu.vector_load %arg8[%swap3A_419, %swap3A_420, %swap3A_421] {strides = array<i32>} : memref<4x128x64xf32, #tpu.memory_space<vmem>>, vector<1x1x16xf32>,
        %swap3A_423 = vector.shape_cast %swap3A_422 : vector<1x1x16xf32> to vector<16xf32>
        %swap3A_424 = vector.shape_cast %mul3A_417 : vector<16xf32> to vector<1x1x16xf32>
        tpu.vector_store %arg8[%swap3A_419, %swap3A_420, %swap3A_421], %swap3A_424 {strides = array<i32>} : memref<4x128x64xf32, #tpu.memory_space<vmem>>, vector<1x1x16xf32>,
        %get3A_425 = arith.constant 1 : i32
        %get3A_426 = arith.index_cast %get3A_425 : i32 to index
        %get3A_427 = arith.index_cast %add3A_394 : i32 to index
        %get3A_428 = arith.constant 32 : index
        %get3A_429 = tpu.vector_load %arg7[%get3A_426, %get3A_427, %get3A_428] {strides = array<i32>} : memref<4x128x64xf32, #tpu.memory_space<vmem>>, vector<1x1x16xf32>,
        %get3A_430 = vector.shape_cast %get3A_429 : vector<1x1x16xf32> to vector<16xf32>
        %mul3A_431 = vector.broadcast %squeeze3A : f32 to vector<16xf32>
        %mul3A_432 = arith.mulf %get3A_430, %mul3A_431 : vector<16xf32>
        %swap3A_433 = arith.constant 1 : i32
        %swap3A_434 = arith.index_cast %swap3A_433 : i32 to index
        %swap3A_435 = arith.index_cast %add3A_394 : i32 to index
        %swap3A_436 = arith.constant 32 : index
        %swap3A_437 = tpu.vector_load %arg8[%swap3A_434, %swap3A_435, %swap3A_436] {strides = array<i32>} : memref<4x128x64xf32, #tpu.memory_space<vmem>>, vector<1x1x16xf32>,
        %swap3A_438 = vector.shape_cast %swap3A_437 : vector<1x1x16xf32> to vector<16xf32>
        %swap3A_439 = vector.shape_cast %mul3A_432 : vector<16xf32> to vector<1x1x16xf32>
        tpu.vector_store %arg8[%swap3A_434, %swap3A_435, %swap3A_436], %swap3A_439 {strides = array<i32>} : memref<4x128x64xf32, #tpu.memory_space<vmem>>, vector<1x1x16xf32>,
        %get3A_440 = arith.constant 1 : i32
        %get3A_441 = arith.index_cast %get3A_440 : i32 to index
        %get3A_442 = arith.index_cast %add3A_394 : i32 to index
        %get3A_443 = arith.constant 48 : index
        %get3A_444 = tpu.vector_load %arg7[%get3A_441, %get3A_442, %get3A_443] {strides = array<i32>} : memref<4x128x64xf32, #tpu.memory_space<vmem>>, vector<1x1x16xf32>,
        %get3A_445 = vector.shape_cast %get3A_444 : vector<1x1x16xf32> to vector<16xf32>
        %mul3A_446 = vector.broadcast %squeeze3A : f32 to vector<16xf32>
        %mul3A_447 = arith.mulf %get3A_445, %mul3A_446 : vector<16xf32>
        %swap3A_448 = arith.constant 1 : i32
        %swap3A_449 = arith.index_cast %swap3A_448 : i32 to index
        %swap3A_450 = arith.index_cast %add3A_394 : i32 to index
        %swap3A_451 = arith.constant 48 : index
        %swap3A_452 = tpu.vector_load %arg8[%swap3A_449, %swap3A_450, %swap3A_451] {strides = array<i32>} : memref<4x128x64xf32, #tpu.memory_space<vmem>>, vector<1x1x16xf32>,
        %swap3A_453 = vector.shape_cast %swap3A_452 : vector<1x1x16xf32> to vector<16xf32>
        %swap3A_454 = vector.shape_cast %mul3A_447 : vector<16xf32> to vector<1x1x16xf32>
        tpu.vector_store %arg8[%swap3A_449, %swap3A_450, %swap3A_451], %swap3A_454 {strides = array<i32>} : memref<4x128x64xf32, #tpu.memory_space<vmem>>, vector<1x1x16xf32>,
        %mul3A_455 = arith.constant 4 : i32
        %mul3A_456 = arith.muli %scan3A_327, %mul3A_455 : i32
        %add3A_457 = arith.constant 2 : i32
        %add3A_458 = arith.addi %mul3A_456, %add3A_457 : i32
        %get3A_459 = arith.constant 1 : i32
        %get3A_460 = arith.index_cast %get3A_459 : i32 to index
        %get3A_461 = arith.index_cast %add3A_458 : i32 to index
        %get3A_462 = arith.constant 0 : index
        %get3A_463 = tpu.vector_load %arg7[%get3A_460, %get3A_461, %get3A_462] {strides = array<i32>} : memref<4x128x64xf32, #tpu.memory_space<vmem>>, vector<1x1x16xf32>,
        %get3A_464 = vector.shape_cast %get3A_463 : vector<1x1x16xf32> to vector<16xf32>
        %mul3A_465 = vector.broadcast %squeeze3A : f32 to vector<16xf32>
        %mul3A_466 = arith.mulf %get3A_464, %mul3A_465 : vector<16xf32>
        %swap3A_467 = arith.constant 1 : i32
        %swap3A_468 = arith.index_cast %swap3A_467 : i32 to index
        %swap3A_469 = arith.index_cast %add3A_458 : i32 to index
        %swap3A_470 = arith.constant 0 : index
        %swap3A_471 = tpu.vector_load %arg8[%swap3A_468, %swap3A_469, %swap3A_470] {strides = array<i32>} : memref<4x128x64xf32, #tpu.memory_space<vmem>>, vector<1x1x16xf32>,
        %swap3A_472 = vector.shape_cast %swap3A_471 : vector<1x1x16xf32> to vector<16xf32>
        %swap3A_473 = vector.shape_cast %mul3A_466 : vector<16xf32> to vector<1x1x16xf32>
        tpu.vector_store %arg8[%swap3A_468, %swap3A_469, %swap3A_470], %swap3A_473 {strides = array<i32>} : memref<4x128x64xf32, #tpu.memory_space<vmem>>, vector<1x1x16xf32>,
        %get3A_474 = arith.constant 1 : i32
        %get3A_475 = arith.index_cast %get3A_474 : i32 to index
        %get3A_476 = arith.index_cast %add3A_458 : i32 to index
        %get3A_477 = arith.constant 16 : index
        %get3A_478 = tpu.vector_load %arg7[%get3A_475, %get3A_476, %get3A_477] {strides = array<i32>} : memref<4x128x64xf32, #tpu.memory_space<vmem>>, vector<1x1x16xf32>,
        %get3A_479 = vector.shape_cast %get3A_478 : vector<1x1x16xf32> to vector<16xf32>
        %mul3A_480 = vector.broadcast %squeeze3A : f32 to vector<16xf32>
        %mul3A_481 = arith.mulf %get3A_479, %mul3A_480 : vector<16xf32>
        %swap3A_482 = arith.constant 1 : i32
        %swap3A_483 = arith.index_cast %swap3A_482 : i32 to index
        %swap3A_484 = arith.index_cast %add3A_458 : i32 to index
        %swap3A_485 = arith.constant 16 : index
        %swap3A_486 = tpu.vector_load %arg8[%swap3A_483, %swap3A_484, %swap3A_485] {strides = array<i32>} : memref<4x128x64xf32, #tpu.memory_space<vmem>>, vector<1x1x16xf32>,
        %swap3A_487 = vector.shape_cast %swap3A_486 : vector<1x1x16xf32> to vector<16xf32>
        %swap3A_488 = vector.shape_cast %mul3A_481 : vector<16xf32> to vector<1x1x16xf32>
        tpu.vector_store %arg8[%swap3A_483, %swap3A_484, %swap3A_485], %swap3A_488 {strides = array<i32>} : memref<4x128x64xf32, #tpu.memory_space<vmem>>, vector<1x1x16xf32>,
        %get3A_489 = arith.constant 1 : i32
        %get3A_490 = arith.index_cast %get3A_489 : i32 to index
        %get3A_491 = arith.index_cast %add3A_458 : i32 to index
        %get3A_492 = arith.constant 32 : index
        %get3A_493 = tpu.vector_load %arg7[%get3A_490, %get3A_491, %get3A_492] {strides = array<i32>} : memref<4x128x64xf32, #tpu.memory_space<vmem>>, vector<1x1x16xf32>,
        %get3A_494 = vector.shape_cast %get3A_493 : vector<1x1x16xf32> to vector<16xf32>
        %mul3A_495 = vector.broadcast %squeeze3A : f32 to vector<16xf32>
        %mul3A_496 = arith.mulf %get3A_494, %mul3A_495 : vector<16xf32>
        %swap3A_497 = arith.constant 1 : i32
        %swap3A_498 = arith.index_cast %swap3A_497 : i32 to index
        %swap3A_499 = arith.index_cast %add3A_458 : i32 to index
        %swap3A_500 = arith.constant 32 : index
        %swap3A_501 = tpu.vector_load %arg8[%swap3A_498, %swap3A_499, %swap3A_500] {strides = array<i32>} : memref<4x128x64xf32, #tpu.memory_space<vmem>>, vector<1x1x16xf32>,
        %swap3A_502 = vector.shape_cast %swap3A_501 : vector<1x1x16xf32> to vector<16xf32>
        %swap3A_503 = vector.shape_cast %mul3A_496 : vector<16xf32> to vector<1x1x16xf32>
        tpu.vector_store %arg8[%swap3A_498, %swap3A_499, %swap3A_500], %swap3A_503 {strides = array<i32>} : memref<4x128x64xf32, #tpu.memory_space<vmem>>, vector<1x1x16xf32>,
        %get3A_504 = arith.constant 1 : i32
        %get3A_505 = arith.index_cast %get3A_504 : i32 to index
        %get3A_506 = arith.index_cast %add3A_458 : i32 to index
        %get3A_507 = arith.constant 48 : index
        %get3A_508 = tpu.vector_load %arg7[%get3A_505, %get3A_506, %get3A_507] {strides = array<i32>} : memref<4x128x64xf32, #tpu.memory_space<vmem>>, vector<1x1x16xf32>,
        %get3A_509 = vector.shape_cast %get3A_508 : vector<1x1x16xf32> to vector<16xf32>
        %mul3A_510 = vector.broadcast %squeeze3A : f32 to vector<16xf32>
        %mul3A_511 = arith.mulf %get3A_509, %mul3A_510 : vector<16xf32>
        %swap3A_512 = arith.constant 1 : i32
        %swap3A_513 = arith.index_cast %swap3A_512 : i32 to index
        %swap3A_514 = arith.index_cast %add3A_458 : i32 to index
        %swap3A_515 = arith.constant 48 : index
        %swap3A_516 = tpu.vector_load %arg8[%swap3A_513, %swap3A_514, %swap3A_515] {strides = array<i32>} : memref<4x128x64xf32, #tpu.memory_space<vmem>>, vector<1x1x16xf32>,
        %swap3A_517 = vector.shape_cast %swap3A_516 : vector<1x1x16xf32> to vector<16xf32>
        %swap3A_518 = vector.shape_cast %mul3A_511 : vector<16xf32> to vector<1x1x16xf32>
        tpu.vector_store %arg8[%swap3A_513, %swap3A_514, %swap3A_515], %swap3A_518 {strides = array<i32>} : memref<4x128x64xf32, #tpu.memory_space<vmem>>, vector<1x1x16xf32>,
        %mul3A_519 = arith.constant 4 : i32
        %mul3A_520 = arith.muli %scan3A_327, %mul3A_519 : i32
        %add3A_521 = arith.constant 3 : i32
        %add3A_522 = arith.addi %mul3A_520, %add3A_521 : i32
        %get3A_523 = arith.constant 1 : i32
        %get3A_524 = arith.index_cast %get3A_523 : i32 to index
        %get3A_525 = arith.index_cast %add3A_522 : i32 to index
        %get3A_526 = arith.constant 0 : index
        %get3A_527 = tpu.vector_load %arg7[%get3A_524, %get3A_525, %get3A_526] {strides = array<i32>} : memref<4x128x64xf32, #tpu.memory_space<vmem>>, vector<1x1x16xf32>,
        %get3A_528 = vector.shape_cast %get3A_527 : vector<1x1x16xf32> to vector<16xf32>
        %mul3A_529 = vector.broadcast %squeeze3A : f32 to vector<16xf32>
        %mul3A_530 = arith.mulf %get3A_528, %mul3A_529 : vector<16xf32>
        %swap3A_531 = arith.constant 1 : i32
        %swap3A_532 = arith.index_cast %swap3A_531 : i32 to index
        %swap3A_533 = arith.index_cast %add3A_522 : i32 to index
        %swap3A_534 = arith.constant 0 : index
        %swap3A_535 = tpu.vector_load %arg8[%swap3A_532, %swap3A_533, %swap3A_534] {strides = array<i32>} : memref<4x128x64xf32, #tpu.memory_space<vmem>>, vector<1x1x16xf32>,
        %swap3A_536 = vector.shape_cast %swap3A_535 : vector<1x1x16xf32> to vector<16xf32>
        %swap3A_537 = vector.shape_cast %mul3A_530 : vector<16xf32> to vector<1x1x16xf32>
        tpu.vector_store %arg8[%swap3A_532, %swap3A_533, %swap3A_534], %swap3A_537 {strides = array<i32>} : memref<4x128x64xf32, #tpu.memory_space<vmem>>, vector<1x1x16xf32>,
        %get3A_538 = arith.constant 1 : i32
        %get3A_539 = arith.index_cast %get3A_538 : i32 to index
        %get3A_540 = arith.index_cast %add3A_522 : i32 to index
        %get3A_541 = arith.constant 16 : index
        %get3A_542 = tpu.vector_load %arg7[%get3A_539, %get3A_540, %get3A_541] {strides = array<i32>} : memref<4x128x64xf32, #tpu.memory_space<vmem>>, vector<1x1x16xf32>,
        %get3A_543 = vector.shape_cast %get3A_542 : vector<1x1x16xf32> to vector<16xf32>
        %mul3A_544 = vector.broadcast %squeeze3A : f32 to vector<16xf32>
        %mul3A_545 = arith.mulf %get3A_543, %mul3A_544 : vector<16xf32>
        %swap3A_546 = arith.constant 1 : i32
        %swap3A_547 = arith.index_cast %swap3A_546 : i32 to index
        %swap3A_548 = arith.index_cast %add3A_522 : i32 to index
        %swap3A_549 = arith.constant 16 : index
        %swap3A_550 = tpu.vector_load %arg8[%swap3A_547, %swap3A_548, %swap3A_549] {strides = array<i32>} : memref<4x128x64xf32, #tpu.memory_space<vmem>>, vector<1x1x16xf32>,
        %swap3A_551 = vector.shape_cast %swap3A_550 : vector<1x1x16xf32> to vector<16xf32>
        %swap3A_552 = vector.shape_cast %mul3A_545 : vector<16xf32> to vector<1x1x16xf32>
        tpu.vector_store %arg8[%swap3A_547, %swap3A_548, %swap3A_549], %swap3A_552 {strides = array<i32>} : memref<4x128x64xf32, #tpu.memory_space<vmem>>, vector<1x1x16xf32>,
        %get3A_553 = arith.constant 1 : i32
        %get3A_554 = arith.index_cast %get3A_553 : i32 to index
        %get3A_555 = arith.index_cast %add3A_522 : i32 to index
        %get3A_556 = arith.constant 32 : index
        %get3A_557 = tpu.vector_load %arg7[%get3A_554, %get3A_555, %get3A_556] {strides = array<i32>} : memref<4x128x64xf32, #tpu.memory_space<vmem>>, vector<1x1x16xf32>,
        %get3A_558 = vector.shape_cast %get3A_557 : vector<1x1x16xf32> to vector<16xf32>
        %mul3A_559 = vector.broadcast %squeeze3A : f32 to vector<16xf32>
        %mul3A_560 = arith.mulf %get3A_558, %mul3A_559 : vector<16xf32>
        %swap3A_561 = arith.constant 1 : i32
        %swap3A_562 = arith.index_cast %swap3A_561 : i32 to index
        %swap3A_563 = arith.index_cast %add3A_522 : i32 to index
        %swap3A_564 = arith.constant 32 : index
        %swap3A_565 = tpu.vector_load %arg8[%swap3A_562, %swap3A_563, %swap3A_564] {strides = array<i32>} : memref<4x128x64xf32, #tpu.memory_space<vmem>>, vector<1x1x16xf32>,
        %swap3A_566 = vector.shape_cast %swap3A_565 : vector<1x1x16xf32> to vector<16xf32>
        %swap3A_567 = vector.shape_cast %mul3A_560 : vector<16xf32> to vector<1x1x16xf32>
        tpu.vector_store %arg8[%swap3A_562, %swap3A_563, %swap3A_564], %swap3A_567 {strides = array<i32>} : memref<4x128x64xf32, #tpu.memory_space<vmem>>, vector<1x1x16xf32>,
        %get3A_568 = arith.constant 1 : i32
        %get3A_569 = arith.index_cast %get3A_568 : i32 to index
        %get3A_570 = arith.index_cast %add3A_522 : i32 to index
        %get3A_571 = arith.constant 48 : index
        %get3A_572 = tpu.vector_load %arg7[%get3A_569, %get3A_570, %get3A_571] {strides = array<i32>} : memref<4x128x64xf32, #tpu.memory_space<vmem>>, vector<1x1x16xf32>,
        %get3A_573 = vector.shape_cast %get3A_572 : vector<1x1x16xf32> to vector<16xf32>
        %mul3A_574 = vector.broadcast %squeeze3A : f32 to vector<16xf32>
        %mul3A_575 = arith.mulf %get3A_573, %mul3A_574 : vector<16xf32>
        %swap3A_576 = arith.constant 1 : i32
        %swap3A_577 = arith.index_cast %swap3A_576 : i32 to index
        %swap3A_578 = arith.index_cast %add3A_522 : i32 to index
        %swap3A_579 = arith.constant 48 : index
        %swap3A_580 = tpu.vector_load %arg8[%swap3A_577, %swap3A_578, %swap3A_579] {strides = array<i32>} : memref<4x128x64xf32, #tpu.memory_space<vmem>>, vector<1x1x16xf32>,
        %swap3A_581 = vector.shape_cast %swap3A_580 : vector<1x1x16xf32> to vector<16xf32>
        %swap3A_582 = vector.shape_cast %mul3A_575 : vector<16xf32> to vector<1x1x16xf32>
        tpu.vector_store %arg8[%swap3A_577, %swap3A_578, %swap3A_579], %swap3A_582 {strides = array<i32>} : memref<4x128x64xf32, #tpu.memory_space<vmem>>, vector<1x1x16xf32>,
      }
      %scan3A_201 = arith.constant 32 : i32
      %add3A_202 = arith.addi %mul3A_4, %add3A_175 : i32
      %mul3A_203 = arith.constant 128 : i32
      %mul3A_204 = arith.muli %add3A_202, %mul3A_203 : i32
      %dma_start3A_205 = arith.constant 1 : i32
      %dma_start3A_206 = arith.constant 0 : i32
      %dma_start3A_207 = arith.constant 0 : i32
      %dma_start3A_208 = tpu.memref_slice %arg8[%dma_start3A_205, %dma_start3A_206, %dma_start3A_207] : memref<4x128x64xf32, #tpu.memory_space<vmem>> -> memref<1x128x64xf32, #tpu.memory_space<vmem>>
      %dma_start3A_209 = tpu.memref_squeeze %dma_start3A_208 : memref<1x128x64xf32, #tpu.memory_space<vmem>> -> memref<128x64xf32, #tpu.memory_space<vmem>>
      %dma_start3A_210 = arith.constant 0 : i32
      %dma_start3A_211 = tpu.memref_slice %arg5[%mul3A_204, %dma_start3A_210] : memref<819200x64xf32, #tpu.memory_space<hbm>> -> memref<128x64xf32, #tpu.memory_space<hbm>>
      %dma_start3A_212 = arith.constant 0 : i32
      %dma_start3A_213 = tpu.memref_slice %arg5[%mul3A_204, %dma_start3A_212] : memref<819200x64xf32, #tpu.memory_space<hbm>> -> memref<128x64xf32, #tpu.memory_space<hbm>>
      %dma_start3A_214 = arith.constant 0 : i32
      %dma_start3A_215 = arith.constant 0 : i32
      %dma_start3A_216 = tpu.memref_slice %arg8[%dma_start3A_205, %dma_start3A_214, %dma_start3A_215] : memref<4x128x64xf32, #tpu.memory_space<vmem>> -> memref<1x128x64xf32, #tpu.memory_space<vmem>>
      %dma_start3A_217 = tpu.memref_squeeze %dma_start3A_216 : memref<1x128x64xf32, #tpu.memory_space<vmem>> -> memref<128x64xf32, #tpu.memory_space<vmem>>
      tpu.enqueue_dma source(%dma_start3A_217 : memref<128x64xf32, #tpu.memory_space<vmem>>) target(%dma_start3A_213 : memref<128x64xf32, #tpu.memory_space<hbm>>) target_semaphore(%arg10 : memref<!tpu.dma_semaphore, #tpu.memory_space<semaphore_mem>>)
      %add3A_218 = arith.constant 1 : i32
      %add3A_219 = arith.addi %scan3A_124, %add3A_218 : i32
      %lt3A_220 = arith.constant 50 : i32
      %lt3A_221 = arith.cmpi slt, %add3A_219, %lt3A_220 : i32
      %convert_element_type3A_222 = arith.extui %lt3A_221 : i1 to i32
      %cond3A_223 = arith.constant 0 : i32
      %cond3A_224 = arith.cmpi ne, %convert_element_type3A_222, %cond3A_223 : i32
      scf.if %cond3A_224 {
        %add3A_327 = arith.constant 4 : i32
        %add3A_328 = arith.addi %add3A_175, %add3A_327 : i32
        %dma_start3A_329 = arith.constant 1 : i32
        %dma_start3A_330 = arith.constant 0 : i32
        %dma_start3A_331 = arith.constant 0 : i32
        %dma_start3A_332 = tpu.memref_slice %arg7[%dma_start3A_329, %dma_start3A_330, %dma_start3A_331] : memref<4x128x64xf32, #tpu.memory_space<vmem>> -> memref<1x128x64xf32, #tpu.memory_space<vmem>>
        %dma_start3A_333 = tpu.memref_squeeze %dma_start3A_332 : memref<1x128x64xf32, #tpu.memory_space<vmem>> -> memref<128x64xf32, #tpu.memory_space<vmem>>
        %dma_start3A_334 = arith.constant 0 : i32
        %dma_start3A_335 = tpu.memref_slice %arg6[%add3A_328, %dma_start3A_334] : memref<200x128xi32, #tpu.memory_space<vmem>> -> memref<1x128xi32, #tpu.memory_space<vmem>>
        %dma_start3A_336 = tpu.memref_squeeze %dma_start3A_335 : memref<1x128xi32, #tpu.memory_space<vmem>> -> memref<128xi32, #tpu.memory_space<vmem>>
        %dma_start3A_337 = arith.constant 0 : i32
        %dma_start3A_338 = arith.constant 0 : i32
        %dma_start3A_339 = tpu.memref_slice %arg3[%dma_start3A_337, %dma_start3A_338] : memref<1000000x64xf32, #tpu.memory_space<hbm>> -> memref<1000000x64xf32, #tpu.memory_space<hbm>>
        tpu.enqueue_indirect_dma source(%dma_start3A_339 : memref<1000000x64xf32, #tpu.memory_space<hbm>>) target(%dma_start3A_333 : memref<128x64xf32, #tpu.memory_space<vmem>>) offsets(%dma_start3A_336 : memref<128xi32, #tpu.memory_space<vmem>>) semaphore(%arg9 : memref<!tpu.dma_semaphore, #tpu.memory_space<semaphore_mem>>)
      } else {
      }
      %add3A_225 = arith.constant 2 : i32
      %add3A_226 = arith.addi %mul3A_126, %add3A_225 : i32
      %dma_wait3A_227 = arith.constant 2 : i32
      %dma_wait3A_228 = arith.constant 0 : i32
      %dma_wait3A_229 = arith.constant 0 : i32
      %dma_wait3A_230 = tpu.memref_slice %arg7[%dma_wait3A_227, %dma_wait3A_228, %dma_wait3A_229] : memref<4x128x64xf32, #tpu.memory_space<vmem>> -> memref<1x128x64xf32, #tpu.memory_space<vmem>>
      %dma_wait3A_231 = tpu.memref_squeeze %dma_wait3A_230 : memref<1x128x64xf32, #tpu.memory_space<vmem>> -> memref<128x64xf32, #tpu.memory_space<vmem>>
      %dma_wait3A_232 = arith.constant 0 : i32
      %dma_wait3A_233 = arith.constant 0 : i32
      %dma_wait3A_234 = tpu.memref_slice %arg3[%dma_wait3A_232, %dma_wait3A_233] : memref<1000000x64xf32, #tpu.memory_space<hbm>> -> memref<128x64xf32, #tpu.memory_space<hbm>>
      %dma_wait3A_235 = arith.constant 0 : i32
      %dma_wait3A_236 = arith.constant 0 : i32
      %dma_wait3A_237 = tpu.memref_slice %arg7[%dma_wait3A_227, %dma_wait3A_235, %dma_wait3A_236] : memref<4x128x64xf32, #tpu.memory_space<vmem>> -> memref<1x128x64xf32, #tpu.memory_space<vmem>>
      %dma_wait3A_238 = tpu.memref_squeeze %dma_wait3A_237 : memref<1x128x64xf32, #tpu.memory_space<vmem>> -> memref<128x64xf32, #tpu.memory_space<vmem>>
      %dma_wait3A_239 = arith.constant 0 : i32
      %dma_wait3A_240 = arith.constant 0 : i32
      %dma_wait3A_241 = tpu.memref_slice %arg3[%dma_wait3A_239, %dma_wait3A_240] : memref<1000000x64xf32, #tpu.memory_space<hbm>> -> memref<128x64xf32, #tpu.memory_space<hbm>>
      tpu.wait_dma2 semaphore(%arg9 : memref<!tpu.dma_semaphore, #tpu.memory_space<semaphore_mem>>) src(%dma_wait3A_241 : memref<128x64xf32, #tpu.memory_space<hbm>>) dst(%dma_wait3A_238 : memref<128x64xf32, #tpu.memory_space<vmem>>)
      %gt3A_242 = arith.constant 0 : i32
      %gt3A_243 = arith.cmpi sgt, %scan3A_124, %gt3A_242 : i32
      %convert_element_type3A_244 = arith.extui %gt3A_243 : i1 to i32
      %cond3A_245 = arith.constant 0 : i32
      %cond3A_246 = arith.cmpi ne, %convert_element_type3A_244, %cond3A_245 : i32
      scf.if %cond3A_246 {
        %sub3A = arith.constant 4 : i32
        %sub3A_327 = arith.subi %add3A_226, %sub3A : i32
        %add3A_328 = arith.addi %mul3A_4, %sub3A_327 : i32
        %mul3A_329 = arith.constant 128 : i32
        %mul3A_330 = arith.muli %add3A_328, %mul3A_329 : i32
        %dma_wait3A_331 = arith.constant 2 : i32
        %dma_wait3A_332 = arith.constant 0 : i32
        %dma_wait3A_333 = arith.constant 0 : i32
        %dma_wait3A_334 = tpu.memref_slice %arg8[%dma_wait3A_331, %dma_wait3A_332, %dma_wait3A_333] : memref<4x128x64xf32, #tpu.memory_space<vmem>> -> memref<1x128x64xf32, #tpu.memory_space<vmem>>
        %dma_wait3A_335 = tpu.memref_squeeze %dma_wait3A_334 : memref<1x128x64xf32, #tpu.memory_space<vmem>> -> memref<128x64xf32, #tpu.memory_space<vmem>>
        %dma_wait3A_336 = arith.constant 0 : i32
        %dma_wait3A_337 = tpu.memref_slice %arg5[%mul3A_330, %dma_wait3A_336] : memref<819200x64xf32, #tpu.memory_space<hbm>> -> memref<128x64xf32, #tpu.memory_space<hbm>>
        %dma_wait3A_338 = arith.constant 0 : i32
        %dma_wait3A_339 = tpu.memref_slice %arg5[%mul3A_330, %dma_wait3A_338] : memref<819200x64xf32, #tpu.memory_space<hbm>> -> memref<128x64xf32, #tpu.memory_space<hbm>>
        %dma_wait3A_340 = arith.constant 0 : i32
        %dma_wait3A_341 = arith.constant 0 : i32
        %dma_wait3A_342 = tpu.memref_slice %arg8[%dma_wait3A_331, %dma_wait3A_340, %dma_wait3A_341] : memref<4x128x64xf32, #tpu.memory_space<vmem>> -> memref<1x128x64xf32, #tpu.memory_space<vmem>>
        %dma_wait3A_343 = tpu.memref_squeeze %dma_wait3A_342 : memref<1x128x64xf32, #tpu.memory_space<vmem>> -> memref<128x64xf32, #tpu.memory_space<vmem>>
        tpu.wait_dma2 semaphore(%arg10 : memref<!tpu.dma_semaphore, #tpu.memory_space<semaphore_mem>>) src(%dma_wait3A_343 : memref<128x64xf32, #tpu.memory_space<vmem>>) dst(%dma_wait3A_339 : memref<128x64xf32, #tpu.memory_space<hbm>>)
      } else {
      }
      %scan3A_247 = arith.constant 0 : i32
      %scan3A_248 = arith.constant 0 : i32
      %scan3A_249 = arith.constant 32 : i32
      %scan3A_250 = arith.addi %scan3A_248, %scan3A_249 : i32
      %scan3A_251 = arith.constant 1 : i32
      scf.for %scan3A_327 = %scan3A_248 to %scan3A_250 step %scan3A_251  : i32 {
        %mul3A_328 = arith.constant 4 : i32
        %mul3A_329 = arith.muli %scan3A_327, %mul3A_328 : i32
        %add3A_330 = arith.constant 0 : i32
        %add3A_331 = arith.addi %mul3A_329, %add3A_330 : i32
        %get3A_332 = arith.constant 2 : i32
        %get3A_333 = arith.index_cast %get3A_332 : i32 to index
        %get3A_334 = arith.index_cast %add3A_331 : i32 to index
        %get3A_335 = arith.constant 0 : index
        %get3A_336 = tpu.vector_load %arg7[%get3A_333, %get3A_334, %get3A_335] {strides = array<i32>} : memref<4x128x64xf32, #tpu.memory_space<vmem>>, vector<1x1x16xf32>,
        %get3A_337 = vector.shape_cast %get3A_336 : vector<1x1x16xf32> to vector<16xf32>
        %mul3A_338 = vector.broadcast %squeeze3A : f32 to vector<16xf32>
        %mul3A_339 = arith.mulf %get3A_337, %mul3A_338 : vector<16xf32>
        %swap3A = arith.constant 2 : i32
        %swap3A_340 = arith.index_cast %swap3A : i32 to index
        %swap3A_341 = arith.index_cast %add3A_331 : i32 to index
        %swap3A_342 = arith.constant 0 : index
        %swap3A_343 = tpu.vector_load %arg8[%swap3A_340, %swap3A_341, %swap3A_342] {strides = array<i32>} : memref<4x128x64xf32, #tpu.memory_space<vmem>>, vector<1x1x16xf32>,
        %swap3A_344 = vector.shape_cast %swap3A_343 : vector<1x1x16xf32> to vector<16xf32>
        %swap3A_345 = vector.shape_cast %mul3A_339 : vector<16xf32> to vector<1x1x16xf32>
        tpu.vector_store %arg8[%swap3A_340, %swap3A_341, %swap3A_342], %swap3A_345 {strides = array<i32>} : memref<4x128x64xf32, #tpu.memory_space<vmem>>, vector<1x1x16xf32>,
        %get3A_346 = arith.constant 2 : i32
        %get3A_347 = arith.index_cast %get3A_346 : i32 to index
        %get3A_348 = arith.index_cast %add3A_331 : i32 to index
        %get3A_349 = arith.constant 16 : index
        %get3A_350 = tpu.vector_load %arg7[%get3A_347, %get3A_348, %get3A_349] {strides = array<i32>} : memref<4x128x64xf32, #tpu.memory_space<vmem>>, vector<1x1x16xf32>,
        %get3A_351 = vector.shape_cast %get3A_350 : vector<1x1x16xf32> to vector<16xf32>
        %mul3A_352 = vector.broadcast %squeeze3A : f32 to vector<16xf32>
        %mul3A_353 = arith.mulf %get3A_351, %mul3A_352 : vector<16xf32>
        %swap3A_354 = arith.constant 2 : i32
        %swap3A_355 = arith.index_cast %swap3A_354 : i32 to index
        %swap3A_356 = arith.index_cast %add3A_331 : i32 to index
        %swap3A_357 = arith.constant 16 : index
        %swap3A_358 = tpu.vector_load %arg8[%swap3A_355, %swap3A_356, %swap3A_357] {strides = array<i32>} : memref<4x128x64xf32, #tpu.memory_space<vmem>>, vector<1x1x16xf32>,
        %swap3A_359 = vector.shape_cast %swap3A_358 : vector<1x1x16xf32> to vector<16xf32>
        %swap3A_360 = vector.shape_cast %mul3A_353 : vector<16xf32> to vector<1x1x16xf32>
        tpu.vector_store %arg8[%swap3A_355, %swap3A_356, %swap3A_357], %swap3A_360 {strides = array<i32>} : memref<4x128x64xf32, #tpu.memory_space<vmem>>, vector<1x1x16xf32>,
        %get3A_361 = arith.constant 2 : i32
        %get3A_362 = arith.index_cast %get3A_361 : i32 to index
        %get3A_363 = arith.index_cast %add3A_331 : i32 to index
        %get3A_364 = arith.constant 32 : index
        %get3A_365 = tpu.vector_load %arg7[%get3A_362, %get3A_363, %get3A_364] {strides = array<i32>} : memref<4x128x64xf32, #tpu.memory_space<vmem>>, vector<1x1x16xf32>,
        %get3A_366 = vector.shape_cast %get3A_365 : vector<1x1x16xf32> to vector<16xf32>
        %mul3A_367 = vector.broadcast %squeeze3A : f32 to vector<16xf32>
        %mul3A_368 = arith.mulf %get3A_366, %mul3A_367 : vector<16xf32>
        %swap3A_369 = arith.constant 2 : i32
        %swap3A_370 = arith.index_cast %swap3A_369 : i32 to index
        %swap3A_371 = arith.index_cast %add3A_331 : i32 to index
        %swap3A_372 = arith.constant 32 : index
        %swap3A_373 = tpu.vector_load %arg8[%swap3A_370, %swap3A_371, %swap3A_372] {strides = array<i32>} : memref<4x128x64xf32, #tpu.memory_space<vmem>>, vector<1x1x16xf32>,
        %swap3A_374 = vector.shape_cast %swap3A_373 : vector<1x1x16xf32> to vector<16xf32>
        %swap3A_375 = vector.shape_cast %mul3A_368 : vector<16xf32> to vector<1x1x16xf32>
        tpu.vector_store %arg8[%swap3A_370, %swap3A_371, %swap3A_372], %swap3A_375 {strides = array<i32>} : memref<4x128x64xf32, #tpu.memory_space<vmem>>, vector<1x1x16xf32>,
        %get3A_376 = arith.constant 2 : i32
        %get3A_377 = arith.index_cast %get3A_376 : i32 to index
        %get3A_378 = arith.index_cast %add3A_331 : i32 to index
        %get3A_379 = arith.constant 48 : index
        %get3A_380 = tpu.vector_load %arg7[%get3A_377, %get3A_378, %get3A_379] {strides = array<i32>} : memref<4x128x64xf32, #tpu.memory_space<vmem>>, vector<1x1x16xf32>,
        %get3A_381 = vector.shape_cast %get3A_380 : vector<1x1x16xf32> to vector<16xf32>
        %mul3A_382 = vector.broadcast %squeeze3A : f32 to vector<16xf32>
        %mul3A_383 = arith.mulf %get3A_381, %mul3A_382 : vector<16xf32>
        %swap3A_384 = arith.constant 2 : i32
        %swap3A_385 = arith.index_cast %swap3A_384 : i32 to index
        %swap3A_386 = arith.index_cast %add3A_331 : i32 to index
        %swap3A_387 = arith.constant 48 : index
        %swap3A_388 = tpu.vector_load %arg8[%swap3A_385, %swap3A_386, %swap3A_387] {strides = array<i32>} : memref<4x128x64xf32, #tpu.memory_space<vmem>>, vector<1x1x16xf32>,
        %swap3A_389 = vector.shape_cast %swap3A_388 : vector<1x1x16xf32> to vector<16xf32>
        %swap3A_390 = vector.shape_cast %mul3A_383 : vector<16xf32> to vector<1x1x16xf32>
        tpu.vector_store %arg8[%swap3A_385, %swap3A_386, %swap3A_387], %swap3A_390 {strides = array<i32>} : memref<4x128x64xf32, #tpu.memory_space<vmem>>, vector<1x1x16xf32>,
        %mul3A_391 = arith.constant 4 : i32
        %mul3A_392 = arith.muli %scan3A_327, %mul3A_391 : i32
        %add3A_393 = arith.constant 1 : i32
        %add3A_394 = arith.addi %mul3A_392, %add3A_393 : i32
        %get3A_395 = arith.constant 2 : i32
        %get3A_396 = arith.index_cast %get3A_395 : i32 to index
        %get3A_397 = arith.index_cast %add3A_394 : i32 to index
        %get3A_398 = arith.constant 0 : index
        %get3A_399 = tpu.vector_load %arg7[%get3A_396, %get3A_397, %get3A_398] {strides = array<i32>} : memref<4x128x64xf32, #tpu.memory_space<vmem>>, vector<1x1x16xf32>,
        %get3A_400 = vector.shape_cast %get3A_399 : vector<1x1x16xf32> to vector<16xf32>
        %mul3A_401 = vector.broadcast %squeeze3A : f32 to vector<16xf32>
        %mul3A_402 = arith.mulf %get3A_400, %mul3A_401 : vector<16xf32>
        %swap3A_403 = arith.constant 2 : i32
        %swap3A_404 = arith.index_cast %swap3A_403 : i32 to index
        %swap3A_405 = arith.index_cast %add3A_394 : i32 to index
        %swap3A_406 = arith.constant 0 : index
        %swap3A_407 = tpu.vector_load %arg8[%swap3A_404, %swap3A_405, %swap3A_406] {strides = array<i32>} : memref<4x128x64xf32, #tpu.memory_space<vmem>>, vector<1x1x16xf32>,
        %swap3A_408 = vector.shape_cast %swap3A_407 : vector<1x1x16xf32> to vector<16xf32>
        %swap3A_409 = vector.shape_cast %mul3A_402 : vector<16xf32> to vector<1x1x16xf32>
        tpu.vector_store %arg8[%swap3A_404, %swap3A_405, %swap3A_406], %swap3A_409 {strides = array<i32>} : memref<4x128x64xf32, #tpu.memory_space<vmem>>, vector<1x1x16xf32>,
        %get3A_410 = arith.constant 2 : i32
        %get3A_411 = arith.index_cast %get3A_410 : i32 to index
        %get3A_412 = arith.index_cast %add3A_394 : i32 to index
        %get3A_413 = arith.constant 16 : index
        %get3A_414 = tpu.vector_load %arg7[%get3A_411, %get3A_412, %get3A_413] {strides = array<i32>} : memref<4x128x64xf32, #tpu.memory_space<vmem>>, vector<1x1x16xf32>,
        %get3A_415 = vector.shape_cast %get3A_414 : vector<1x1x16xf32> to vector<16xf32>
        %mul3A_416 = vector.broadcast %squeeze3A : f32 to vector<16xf32>
        %mul3A_417 = arith.mulf %get3A_415, %mul3A_416 : vector<16xf32>
        %swap3A_418 = arith.constant 2 : i32
        %swap3A_419 = arith.index_cast %swap3A_418 : i32 to index
        %swap3A_420 = arith.index_cast %add3A_394 : i32 to index
        %swap3A_421 = arith.constant 16 : index
        %swap3A_422 = tpu.vector_load %arg8[%swap3A_419, %swap3A_420, %swap3A_421] {strides = array<i32>} : memref<4x128x64xf32, #tpu.memory_space<vmem>>, vector<1x1x16xf32>,
        %swap3A_423 = vector.shape_cast %swap3A_422 : vector<1x1x16xf32> to vector<16xf32>
        %swap3A_424 = vector.shape_cast %mul3A_417 : vector<16xf32> to vector<1x1x16xf32>
        tpu.vector_store %arg8[%swap3A_419, %swap3A_420, %swap3A_421], %swap3A_424 {strides = array<i32>} : memref<4x128x64xf32, #tpu.memory_space<vmem>>, vector<1x1x16xf32>,
        %get3A_425 = arith.constant 2 : i32
        %get3A_426 = arith.index_cast %get3A_425 : i32 to index
        %get3A_427 = arith.index_cast %add3A_394 : i32 to index
        %get3A_428 = arith.constant 32 : index
        %get3A_429 = tpu.vector_load %arg7[%get3A_426, %get3A_427, %get3A_428] {strides = array<i32>} : memref<4x128x64xf32, #tpu.memory_space<vmem>>, vector<1x1x16xf32>,
        %get3A_430 = vector.shape_cast %get3A_429 : vector<1x1x16xf32> to vector<16xf32>
        %mul3A_431 = vector.broadcast %squeeze3A : f32 to vector<16xf32>
        %mul3A_432 = arith.mulf %get3A_430, %mul3A_431 : vector<16xf32>
        %swap3A_433 = arith.constant 2 : i32
        %swap3A_434 = arith.index_cast %swap3A_433 : i32 to index
        %swap3A_435 = arith.index_cast %add3A_394 : i32 to index
        %swap3A_436 = arith.constant 32 : index
        %swap3A_437 = tpu.vector_load %arg8[%swap3A_434, %swap3A_435, %swap3A_436] {strides = array<i32>} : memref<4x128x64xf32, #tpu.memory_space<vmem>>, vector<1x1x16xf32>,
        %swap3A_438 = vector.shape_cast %swap3A_437 : vector<1x1x16xf32> to vector<16xf32>
        %swap3A_439 = vector.shape_cast %mul3A_432 : vector<16xf32> to vector<1x1x16xf32>
        tpu.vector_store %arg8[%swap3A_434, %swap3A_435, %swap3A_436], %swap3A_439 {strides = array<i32>} : memref<4x128x64xf32, #tpu.memory_space<vmem>>, vector<1x1x16xf32>,
        %get3A_440 = arith.constant 2 : i32
        %get3A_441 = arith.index_cast %get3A_440 : i32 to index
        %get3A_442 = arith.index_cast %add3A_394 : i32 to index
        %get3A_443 = arith.constant 48 : index
        %get3A_444 = tpu.vector_load %arg7[%get3A_441, %get3A_442, %get3A_443] {strides = array<i32>} : memref<4x128x64xf32, #tpu.memory_space<vmem>>, vector<1x1x16xf32>,
        %get3A_445 = vector.shape_cast %get3A_444 : vector<1x1x16xf32> to vector<16xf32>
        %mul3A_446 = vector.broadcast %squeeze3A : f32 to vector<16xf32>
        %mul3A_447 = arith.mulf %get3A_445, %mul3A_446 : vector<16xf32>
        %swap3A_448 = arith.constant 2 : i32
        %swap3A_449 = arith.index_cast %swap3A_448 : i32 to index
        %swap3A_450 = arith.index_cast %add3A_394 : i32 to index
        %swap3A_451 = arith.constant 48 : index
        %swap3A_452 = tpu.vector_load %arg8[%swap3A_449, %swap3A_450, %swap3A_451] {strides = array<i32>} : memref<4x128x64xf32, #tpu.memory_space<vmem>>, vector<1x1x16xf32>,
        %swap3A_453 = vector.shape_cast %swap3A_452 : vector<1x1x16xf32> to vector<16xf32>
        %swap3A_454 = vector.shape_cast %mul3A_447 : vector<16xf32> to vector<1x1x16xf32>
        tpu.vector_store %arg8[%swap3A_449, %swap3A_450, %swap3A_451], %swap3A_454 {strides = array<i32>} : memref<4x128x64xf32, #tpu.memory_space<vmem>>, vector<1x1x16xf32>,
        %mul3A_455 = arith.constant 4 : i32
        %mul3A_456 = arith.muli %scan3A_327, %mul3A_455 : i32
        %add3A_457 = arith.constant 2 : i32
        %add3A_458 = arith.addi %mul3A_456, %add3A_457 : i32
        %get3A_459 = arith.constant 2 : i32
        %get3A_460 = arith.index_cast %get3A_459 : i32 to index
        %get3A_461 = arith.index_cast %add3A_458 : i32 to index
        %get3A_462 = arith.constant 0 : index
        %get3A_463 = tpu.vector_load %arg7[%get3A_460, %get3A_461, %get3A_462] {strides = array<i32>} : memref<4x128x64xf32, #tpu.memory_space<vmem>>, vector<1x1x16xf32>,
        %get3A_464 = vector.shape_cast %get3A_463 : vector<1x1x16xf32> to vector<16xf32>
        %mul3A_465 = vector.broadcast %squeeze3A : f32 to vector<16xf32>
        %mul3A_466 = arith.mulf %get3A_464, %mul3A_465 : vector<16xf32>
        %swap3A_467 = arith.constant 2 : i32
        %swap3A_468 = arith.index_cast %swap3A_467 : i32 to index
        %swap3A_469 = arith.index_cast %add3A_458 : i32 to index
        %swap3A_470 = arith.constant 0 : index
        %swap3A_471 = tpu.vector_load %arg8[%swap3A_468, %swap3A_469, %swap3A_470] {strides = array<i32>} : memref<4x128x64xf32, #tpu.memory_space<vmem>>, vector<1x1x16xf32>,
        %swap3A_472 = vector.shape_cast %swap3A_471 : vector<1x1x16xf32> to vector<16xf32>
        %swap3A_473 = vector.shape_cast %mul3A_466 : vector<16xf32> to vector<1x1x16xf32>
        tpu.vector_store %arg8[%swap3A_468, %swap3A_469, %swap3A_470], %swap3A_473 {strides = array<i32>} : memref<4x128x64xf32, #tpu.memory_space<vmem>>, vector<1x1x16xf32>,
        %get3A_474 = arith.constant 2 : i32
        %get3A_475 = arith.index_cast %get3A_474 : i32 to index
        %get3A_476 = arith.index_cast %add3A_458 : i32 to index
        %get3A_477 = arith.constant 16 : index
        %get3A_478 = tpu.vector_load %arg7[%get3A_475, %get3A_476, %get3A_477] {strides = array<i32>} : memref<4x128x64xf32, #tpu.memory_space<vmem>>, vector<1x1x16xf32>,
        %get3A_479 = vector.shape_cast %get3A_478 : vector<1x1x16xf32> to vector<16xf32>
        %mul3A_480 = vector.broadcast %squeeze3A : f32 to vector<16xf32>
        %mul3A_481 = arith.mulf %get3A_479, %mul3A_480 : vector<16xf32>
        %swap3A_482 = arith.constant 2 : i32
        %swap3A_483 = arith.index_cast %swap3A_482 : i32 to index
        %swap3A_484 = arith.index_cast %add3A_458 : i32 to index
        %swap3A_485 = arith.constant 16 : index
        %swap3A_486 = tpu.vector_load %arg8[%swap3A_483, %swap3A_484, %swap3A_485] {strides = array<i32>} : memref<4x128x64xf32, #tpu.memory_space<vmem>>, vector<1x1x16xf32>,
        %swap3A_487 = vector.shape_cast %swap3A_486 : vector<1x1x16xf32> to vector<16xf32>
        %swap3A_488 = vector.shape_cast %mul3A_481 : vector<16xf32> to vector<1x1x16xf32>
        tpu.vector_store %arg8[%swap3A_483, %swap3A_484, %swap3A_485], %swap3A_488 {strides = array<i32>} : memref<4x128x64xf32, #tpu.memory_space<vmem>>, vector<1x1x16xf32>,
        %get3A_489 = arith.constant 2 : i32
        %get3A_490 = arith.index_cast %get3A_489 : i32 to index
        %get3A_491 = arith.index_cast %add3A_458 : i32 to index
        %get3A_492 = arith.constant 32 : index
        %get3A_493 = tpu.vector_load %arg7[%get3A_490, %get3A_491, %get3A_492] {strides = array<i32>} : memref<4x128x64xf32, #tpu.memory_space<vmem>>, vector<1x1x16xf32>,
        %get3A_494 = vector.shape_cast %get3A_493 : vector<1x1x16xf32> to vector<16xf32>
        %mul3A_495 = vector.broadcast %squeeze3A : f32 to vector<16xf32>
        %mul3A_496 = arith.mulf %get3A_494, %mul3A_495 : vector<16xf32>
        %swap3A_497 = arith.constant 2 : i32
        %swap3A_498 = arith.index_cast %swap3A_497 : i32 to index
        %swap3A_499 = arith.index_cast %add3A_458 : i32 to index
        %swap3A_500 = arith.constant 32 : index
        %swap3A_501 = tpu.vector_load %arg8[%swap3A_498, %swap3A_499, %swap3A_500] {strides = array<i32>} : memref<4x128x64xf32, #tpu.memory_space<vmem>>, vector<1x1x16xf32>,
        %swap3A_502 = vector.shape_cast %swap3A_501 : vector<1x1x16xf32> to vector<16xf32>
        %swap3A_503 = vector.shape_cast %mul3A_496 : vector<16xf32> to vector<1x1x16xf32>
        tpu.vector_store %arg8[%swap3A_498, %swap3A_499, %swap3A_500], %swap3A_503 {strides = array<i32>} : memref<4x128x64xf32, #tpu.memory_space<vmem>>, vector<1x1x16xf32>,
        %get3A_504 = arith.constant 2 : i32
        %get3A_505 = arith.index_cast %get3A_504 : i32 to index
        %get3A_506 = arith.index_cast %add3A_458 : i32 to index
        %get3A_507 = arith.constant 48 : index
        %get3A_508 = tpu.vector_load %arg7[%get3A_505, %get3A_506, %get3A_507] {strides = array<i32>} : memref<4x128x64xf32, #tpu.memory_space<vmem>>, vector<1x1x16xf32>,
        %get3A_509 = vector.shape_cast %get3A_508 : vector<1x1x16xf32> to vector<16xf32>
        %mul3A_510 = vector.broadcast %squeeze3A : f32 to vector<16xf32>
        %mul3A_511 = arith.mulf %get3A_509, %mul3A_510 : vector<16xf32>
        %swap3A_512 = arith.constant 2 : i32
        %swap3A_513 = arith.index_cast %swap3A_512 : i32 to index
        %swap3A_514 = arith.index_cast %add3A_458 : i32 to index
        %swap3A_515 = arith.constant 48 : index
        %swap3A_516 = tpu.vector_load %arg8[%swap3A_513, %swap3A_514, %swap3A_515] {strides = array<i32>} : memref<4x128x64xf32, #tpu.memory_space<vmem>>, vector<1x1x16xf32>,
        %swap3A_517 = vector.shape_cast %swap3A_516 : vector<1x1x16xf32> to vector<16xf32>
        %swap3A_518 = vector.shape_cast %mul3A_511 : vector<16xf32> to vector<1x1x16xf32>
        tpu.vector_store %arg8[%swap3A_513, %swap3A_514, %swap3A_515], %swap3A_518 {strides = array<i32>} : memref<4x128x64xf32, #tpu.memory_space<vmem>>, vector<1x1x16xf32>,
        %mul3A_519 = arith.constant 4 : i32
        %mul3A_520 = arith.muli %scan3A_327, %mul3A_519 : i32
        %add3A_521 = arith.constant 3 : i32
        %add3A_522 = arith.addi %mul3A_520, %add3A_521 : i32
        %get3A_523 = arith.constant 2 : i32
        %get3A_524 = arith.index_cast %get3A_523 : i32 to index
        %get3A_525 = arith.index_cast %add3A_522 : i32 to index
        %get3A_526 = arith.constant 0 : index
        %get3A_527 = tpu.vector_load %arg7[%get3A_524, %get3A_525, %get3A_526] {strides = array<i32>} : memref<4x128x64xf32, #tpu.memory_space<vmem>>, vector<1x1x16xf32>,
        %get3A_528 = vector.shape_cast %get3A_527 : vector<1x1x16xf32> to vector<16xf32>
        %mul3A_529 = vector.broadcast %squeeze3A : f32 to vector<16xf32>
        %mul3A_530 = arith.mulf %get3A_528, %mul3A_529 : vector<16xf32>
        %swap3A_531 = arith.constant 2 : i32
        %swap3A_532 = arith.index_cast %swap3A_531 : i32 to index
        %swap3A_533 = arith.index_cast %add3A_522 : i32 to index
        %swap3A_534 = arith.constant 0 : index
        %swap3A_535 = tpu.vector_load %arg8[%swap3A_532, %swap3A_533, %swap3A_534] {strides = array<i32>} : memref<4x128x64xf32, #tpu.memory_space<vmem>>, vector<1x1x16xf32>,
        %swap3A_536 = vector.shape_cast %swap3A_535 : vector<1x1x16xf32> to vector<16xf32>
        %swap3A_537 = vector.shape_cast %mul3A_530 : vector<16xf32> to vector<1x1x16xf32>
        tpu.vector_store %arg8[%swap3A_532, %swap3A_533, %swap3A_534], %swap3A_537 {strides = array<i32>} : memref<4x128x64xf32, #tpu.memory_space<vmem>>, vector<1x1x16xf32>,
        %get3A_538 = arith.constant 2 : i32
        %get3A_539 = arith.index_cast %get3A_538 : i32 to index
        %get3A_540 = arith.index_cast %add3A_522 : i32 to index
        %get3A_541 = arith.constant 16 : index
        %get3A_542 = tpu.vector_load %arg7[%get3A_539, %get3A_540, %get3A_541] {strides = array<i32>} : memref<4x128x64xf32, #tpu.memory_space<vmem>>, vector<1x1x16xf32>,
        %get3A_543 = vector.shape_cast %get3A_542 : vector<1x1x16xf32> to vector<16xf32>
        %mul3A_544 = vector.broadcast %squeeze3A : f32 to vector<16xf32>
        %mul3A_545 = arith.mulf %get3A_543, %mul3A_544 : vector<16xf32>
        %swap3A_546 = arith.constant 2 : i32
        %swap3A_547 = arith.index_cast %swap3A_546 : i32 to index
        %swap3A_548 = arith.index_cast %add3A_522 : i32 to index
        %swap3A_549 = arith.constant 16 : index
        %swap3A_550 = tpu.vector_load %arg8[%swap3A_547, %swap3A_548, %swap3A_549] {strides = array<i32>} : memref<4x128x64xf32, #tpu.memory_space<vmem>>, vector<1x1x16xf32>,
        %swap3A_551 = vector.shape_cast %swap3A_550 : vector<1x1x16xf32> to vector<16xf32>
        %swap3A_552 = vector.shape_cast %mul3A_545 : vector<16xf32> to vector<1x1x16xf32>
        tpu.vector_store %arg8[%swap3A_547, %swap3A_548, %swap3A_549], %swap3A_552 {strides = array<i32>} : memref<4x128x64xf32, #tpu.memory_space<vmem>>, vector<1x1x16xf32>,
        %get3A_553 = arith.constant 2 : i32
        %get3A_554 = arith.index_cast %get3A_553 : i32 to index
        %get3A_555 = arith.index_cast %add3A_522 : i32 to index
        %get3A_556 = arith.constant 32 : index
        %get3A_557 = tpu.vector_load %arg7[%get3A_554, %get3A_555, %get3A_556] {strides = array<i32>} : memref<4x128x64xf32, #tpu.memory_space<vmem>>, vector<1x1x16xf32>,
        %get3A_558 = vector.shape_cast %get3A_557 : vector<1x1x16xf32> to vector<16xf32>
        %mul3A_559 = vector.broadcast %squeeze3A : f32 to vector<16xf32>
        %mul3A_560 = arith.mulf %get3A_558, %mul3A_559 : vector<16xf32>
        %swap3A_561 = arith.constant 2 : i32
        %swap3A_562 = arith.index_cast %swap3A_561 : i32 to index
        %swap3A_563 = arith.index_cast %add3A_522 : i32 to index
        %swap3A_564 = arith.constant 32 : index
        %swap3A_565 = tpu.vector_load %arg8[%swap3A_562, %swap3A_563, %swap3A_564] {strides = array<i32>} : memref<4x128x64xf32, #tpu.memory_space<vmem>>, vector<1x1x16xf32>,
        %swap3A_566 = vector.shape_cast %swap3A_565 : vector<1x1x16xf32> to vector<16xf32>
        %swap3A_567 = vector.shape_cast %mul3A_560 : vector<16xf32> to vector<1x1x16xf32>
        tpu.vector_store %arg8[%swap3A_562, %swap3A_563, %swap3A_564], %swap3A_567 {strides = array<i32>} : memref<4x128x64xf32, #tpu.memory_space<vmem>>, vector<1x1x16xf32>,
        %get3A_568 = arith.constant 2 : i32
        %get3A_569 = arith.index_cast %get3A_568 : i32 to index
        %get3A_570 = arith.index_cast %add3A_522 : i32 to index
        %get3A_571 = arith.constant 48 : index
        %get3A_572 = tpu.vector_load %arg7[%get3A_569, %get3A_570, %get3A_571] {strides = array<i32>} : memref<4x128x64xf32, #tpu.memory_space<vmem>>, vector<1x1x16xf32>,
        %get3A_573 = vector.shape_cast %get3A_572 : vector<1x1x16xf32> to vector<16xf32>
        %mul3A_574 = vector.broadcast %squeeze3A : f32 to vector<16xf32>
        %mul3A_575 = arith.mulf %get3A_573, %mul3A_574 : vector<16xf32>
        %swap3A_576 = arith.constant 2 : i32
        %swap3A_577 = arith.index_cast %swap3A_576 : i32 to index
        %swap3A_578 = arith.index_cast %add3A_522 : i32 to index
        %swap3A_579 = arith.constant 48 : index
        %swap3A_580 = tpu.vector_load %arg8[%swap3A_577, %swap3A_578, %swap3A_579] {strides = array<i32>} : memref<4x128x64xf32, #tpu.memory_space<vmem>>, vector<1x1x16xf32>,
        %swap3A_581 = vector.shape_cast %swap3A_580 : vector<1x1x16xf32> to vector<16xf32>
        %swap3A_582 = vector.shape_cast %mul3A_575 : vector<16xf32> to vector<1x1x16xf32>
        tpu.vector_store %arg8[%swap3A_577, %swap3A_578, %swap3A_579], %swap3A_582 {strides = array<i32>} : memref<4x128x64xf32, #tpu.memory_space<vmem>>, vector<1x1x16xf32>,
      }
      %scan3A_252 = arith.constant 32 : i32
      %add3A_253 = arith.addi %mul3A_4, %add3A_226 : i32
      %mul3A_254 = arith.constant 128 : i32
      %mul3A_255 = arith.muli %add3A_253, %mul3A_254 : i32
      %dma_start3A_256 = arith.constant 2 : i32
      %dma_start3A_257 = arith.constant 0 : i32
      %dma_start3A_258 = arith.constant 0 : i32
      %dma_start3A_259 = tpu.memref_slice %arg8[%dma_start3A_256, %dma_start3A_257, %dma_start3A_258] : memref<4x128x64xf32, #tpu.memory_space<vmem>> -> memref<1x128x64xf32, #tpu.memory_space<vmem>>
      %dma_start3A_260 = tpu.memref_squeeze %dma_start3A_259 : memref<1x128x64xf32, #tpu.memory_space<vmem>> -> memref<128x64xf32, #tpu.memory_space<vmem>>
      %dma_start3A_261 = arith.constant 0 : i32
      %dma_start3A_262 = tpu.memref_slice %arg5[%mul3A_255, %dma_start3A_261] : memref<819200x64xf32, #tpu.memory_space<hbm>> -> memref<128x64xf32, #tpu.memory_space<hbm>>
      %dma_start3A_263 = arith.constant 0 : i32
      %dma_start3A_264 = tpu.memref_slice %arg5[%mul3A_255, %dma_start3A_263] : memref<819200x64xf32, #tpu.memory_space<hbm>> -> memref<128x64xf32, #tpu.memory_space<hbm>>
      %dma_start3A_265 = arith.constant 0 : i32
      %dma_start3A_266 = arith.constant 0 : i32
      %dma_start3A_267 = tpu.memref_slice %arg8[%dma_start3A_256, %dma_start3A_265, %dma_start3A_266] : memref<4x128x64xf32, #tpu.memory_space<vmem>> -> memref<1x128x64xf32, #tpu.memory_space<vmem>>
      %dma_start3A_268 = tpu.memref_squeeze %dma_start3A_267 : memref<1x128x64xf32, #tpu.memory_space<vmem>> -> memref<128x64xf32, #tpu.memory_space<vmem>>
      tpu.enqueue_dma source(%dma_start3A_268 : memref<128x64xf32, #tpu.memory_space<vmem>>) target(%dma_start3A_264 : memref<128x64xf32, #tpu.memory_space<hbm>>) target_semaphore(%arg10 : memref<!tpu.dma_semaphore, #tpu.memory_space<semaphore_mem>>)
      %add3A_269 = arith.constant 1 : i32
      %add3A_270 = arith.addi %scan3A_124, %add3A_269 : i32
      %lt3A_271 = arith.constant 50 : i32
      %lt3A_272 = arith.cmpi slt, %add3A_270, %lt3A_271 : i32
      %convert_element_type3A_273 = arith.extui %lt3A_272 : i1 to i32
      %cond3A_274 = arith.constant 0 : i32
      %cond3A_275 = arith.cmpi ne, %convert_element_type3A_273, %cond3A_274 : i32
      scf.if %cond3A_275 {
        %add3A_327 = arith.constant 4 : i32
        %add3A_328 = arith.addi %add3A_226, %add3A_327 : i32
        %dma_start3A_329 = arith.constant 2 : i32
        %dma_start3A_330 = arith.constant 0 : i32
        %dma_start3A_331 = arith.constant 0 : i32
        %dma_start3A_332 = tpu.memref_slice %arg7[%dma_start3A_329, %dma_start3A_330, %dma_start3A_331] : memref<4x128x64xf32, #tpu.memory_space<vmem>> -> memref<1x128x64xf32, #tpu.memory_space<vmem>>
        %dma_start3A_333 = tpu.memref_squeeze %dma_start3A_332 : memref<1x128x64xf32, #tpu.memory_space<vmem>> -> memref<128x64xf32, #tpu.memory_space<vmem>>
        %dma_start3A_334 = arith.constant 0 : i32
        %dma_start3A_335 = tpu.memref_slice %arg6[%add3A_328, %dma_start3A_334] : memref<200x128xi32, #tpu.memory_space<vmem>> -> memref<1x128xi32, #tpu.memory_space<vmem>>
        %dma_start3A_336 = tpu.memref_squeeze %dma_start3A_335 : memref<1x128xi32, #tpu.memory_space<vmem>> -> memref<128xi32, #tpu.memory_space<vmem>>
        %dma_start3A_337 = arith.constant 0 : i32
        %dma_start3A_338 = arith.constant 0 : i32
        %dma_start3A_339 = tpu.memref_slice %arg3[%dma_start3A_337, %dma_start3A_338] : memref<1000000x64xf32, #tpu.memory_space<hbm>> -> memref<1000000x64xf32, #tpu.memory_space<hbm>>
        tpu.enqueue_indirect_dma source(%dma_start3A_339 : memref<1000000x64xf32, #tpu.memory_space<hbm>>) target(%dma_start3A_333 : memref<128x64xf32, #tpu.memory_space<vmem>>) offsets(%dma_start3A_336 : memref<128xi32, #tpu.memory_space<vmem>>) semaphore(%arg9 : memref<!tpu.dma_semaphore, #tpu.memory_space<semaphore_mem>>)
      } else {
      }
      %add3A_276 = arith.constant 3 : i32
      %add3A_277 = arith.addi %mul3A_126, %add3A_276 : i32
      %dma_wait3A_278 = arith.constant 3 : i32
      %dma_wait3A_279 = arith.constant 0 : i32
      %dma_wait3A_280 = arith.constant 0 : i32
      %dma_wait3A_281 = tpu.memref_slice %arg7[%dma_wait3A_278, %dma_wait3A_279, %dma_wait3A_280] : memref<4x128x64xf32, #tpu.memory_space<vmem>> -> memref<1x128x64xf32, #tpu.memory_space<vmem>>
      %dma_wait3A_282 = tpu.memref_squeeze %dma_wait3A_281 : memref<1x128x64xf32, #tpu.memory_space<vmem>> -> memref<128x64xf32, #tpu.memory_space<vmem>>
      %dma_wait3A_283 = arith.constant 0 : i32
      %dma_wait3A_284 = arith.constant 0 : i32
      %dma_wait3A_285 = tpu.memref_slice %arg3[%dma_wait3A_283, %dma_wait3A_284] : memref<1000000x64xf32, #tpu.memory_space<hbm>> -> memref<128x64xf32, #tpu.memory_space<hbm>>
      %dma_wait3A_286 = arith.constant 0 : i32
      %dma_wait3A_287 = arith.constant 0 : i32
      %dma_wait3A_288 = tpu.memref_slice %arg7[%dma_wait3A_278, %dma_wait3A_286, %dma_wait3A_287] : memref<4x128x64xf32, #tpu.memory_space<vmem>> -> memref<1x128x64xf32, #tpu.memory_space<vmem>>
      %dma_wait3A_289 = tpu.memref_squeeze %dma_wait3A_288 : memref<1x128x64xf32, #tpu.memory_space<vmem>> -> memref<128x64xf32, #tpu.memory_space<vmem>>
      %dma_wait3A_290 = arith.constant 0 : i32
      %dma_wait3A_291 = arith.constant 0 : i32
      %dma_wait3A_292 = tpu.memref_slice %arg3[%dma_wait3A_290, %dma_wait3A_291] : memref<1000000x64xf32, #tpu.memory_space<hbm>> -> memref<128x64xf32, #tpu.memory_space<hbm>>
      tpu.wait_dma2 semaphore(%arg9 : memref<!tpu.dma_semaphore, #tpu.memory_space<semaphore_mem>>) src(%dma_wait3A_292 : memref<128x64xf32, #tpu.memory_space<hbm>>) dst(%dma_wait3A_289 : memref<128x64xf32, #tpu.memory_space<vmem>>)
      %gt3A_293 = arith.constant 0 : i32
      %gt3A_294 = arith.cmpi sgt, %scan3A_124, %gt3A_293 : i32
      %convert_element_type3A_295 = arith.extui %gt3A_294 : i1 to i32
      %cond3A_296 = arith.constant 0 : i32
      %cond3A_297 = arith.cmpi ne, %convert_element_type3A_295, %cond3A_296 : i32
      scf.if %cond3A_297 {
        %sub3A = arith.constant 4 : i32
        %sub3A_327 = arith.subi %add3A_277, %sub3A : i32
        %add3A_328 = arith.addi %mul3A_4, %sub3A_327 : i32
        %mul3A_329 = arith.constant 128 : i32
        %mul3A_330 = arith.muli %add3A_328, %mul3A_329 : i32
        %dma_wait3A_331 = arith.constant 3 : i32
        %dma_wait3A_332 = arith.constant 0 : i32
        %dma_wait3A_333 = arith.constant 0 : i32
        %dma_wait3A_334 = tpu.memref_slice %arg8[%dma_wait3A_331, %dma_wait3A_332, %dma_wait3A_333] : memref<4x128x64xf32, #tpu.memory_space<vmem>> -> memref<1x128x64xf32, #tpu.memory_space<vmem>>
        %dma_wait3A_335 = tpu.memref_squeeze %dma_wait3A_334 : memref<1x128x64xf32, #tpu.memory_space<vmem>> -> memref<128x64xf32, #tpu.memory_space<vmem>>
        %dma_wait3A_336 = arith.constant 0 : i32
        %dma_wait3A_337 = tpu.memref_slice %arg5[%mul3A_330, %dma_wait3A_336] : memref<819200x64xf32, #tpu.memory_space<hbm>> -> memref<128x64xf32, #tpu.memory_space<hbm>>
        %dma_wait3A_338 = arith.constant 0 : i32
        %dma_wait3A_339 = tpu.memref_slice %arg5[%mul3A_330, %dma_wait3A_338] : memref<819200x64xf32, #tpu.memory_space<hbm>> -> memref<128x64xf32, #tpu.memory_space<hbm>>
        %dma_wait3A_340 = arith.constant 0 : i32
        %dma_wait3A_341 = arith.constant 0 : i32
        %dma_wait3A_342 = tpu.memref_slice %arg8[%dma_wait3A_331, %dma_wait3A_340, %dma_wait3A_341] : memref<4x128x64xf32, #tpu.memory_space<vmem>> -> memref<1x128x64xf32, #tpu.memory_space<vmem>>
        %dma_wait3A_343 = tpu.memref_squeeze %dma_wait3A_342 : memref<1x128x64xf32, #tpu.memory_space<vmem>> -> memref<128x64xf32, #tpu.memory_space<vmem>>
        tpu.wait_dma2 semaphore(%arg10 : memref<!tpu.dma_semaphore, #tpu.memory_space<semaphore_mem>>) src(%dma_wait3A_343 : memref<128x64xf32, #tpu.memory_space<vmem>>) dst(%dma_wait3A_339 : memref<128x64xf32, #tpu.memory_space<hbm>>)
      } else {
      }
      %scan3A_298 = arith.constant 0 : i32
      %scan3A_299 = arith.constant 0 : i32
      %scan3A_300 = arith.constant 32 : i32
      %scan3A_301 = arith.addi %scan3A_299, %scan3A_300 : i32
      %scan3A_302 = arith.constant 1 : i32
      scf.for %scan3A_327 = %scan3A_299 to %scan3A_301 step %scan3A_302  : i32 {
        %mul3A_328 = arith.constant 4 : i32
        %mul3A_329 = arith.muli %scan3A_327, %mul3A_328 : i32
        %add3A_330 = arith.constant 0 : i32
        %add3A_331 = arith.addi %mul3A_329, %add3A_330 : i32
        %get3A_332 = arith.constant 3 : i32
        %get3A_333 = arith.index_cast %get3A_332 : i32 to index
        %get3A_334 = arith.index_cast %add3A_331 : i32 to index
        %get3A_335 = arith.constant 0 : index
        %get3A_336 = tpu.vector_load %arg7[%get3A_333, %get3A_334, %get3A_335] {strides = array<i32>} : memref<4x128x64xf32, #tpu.memory_space<vmem>>, vector<1x1x16xf32>,
        %get3A_337 = vector.shape_cast %get3A_336 : vector<1x1x16xf32> to vector<16xf32>
        %mul3A_338 = vector.broadcast %squeeze3A : f32 to vector<16xf32>
        %mul3A_339 = arith.mulf %get3A_337, %mul3A_338 : vector<16xf32>
        %swap3A = arith.constant 3 : i32
        %swap3A_340 = arith.index_cast %swap3A : i32 to index
        %swap3A_341 = arith.index_cast %add3A_331 : i32 to index
        %swap3A_342 = arith.constant 0 : index
        %swap3A_343 = tpu.vector_load %arg8[%swap3A_340, %swap3A_341, %swap3A_342] {strides = array<i32>} : memref<4x128x64xf32, #tpu.memory_space<vmem>>, vector<1x1x16xf32>,
        %swap3A_344 = vector.shape_cast %swap3A_343 : vector<1x1x16xf32> to vector<16xf32>
        %swap3A_345 = vector.shape_cast %mul3A_339 : vector<16xf32> to vector<1x1x16xf32>
        tpu.vector_store %arg8[%swap3A_340, %swap3A_341, %swap3A_342], %swap3A_345 {strides = array<i32>} : memref<4x128x64xf32, #tpu.memory_space<vmem>>, vector<1x1x16xf32>,
        %get3A_346 = arith.constant 3 : i32
        %get3A_347 = arith.index_cast %get3A_346 : i32 to index
        %get3A_348 = arith.index_cast %add3A_331 : i32 to index
        %get3A_349 = arith.constant 16 : index
        %get3A_350 = tpu.vector_load %arg7[%get3A_347, %get3A_348, %get3A_349] {strides = array<i32>} : memref<4x128x64xf32, #tpu.memory_space<vmem>>, vector<1x1x16xf32>,
        %get3A_351 = vector.shape_cast %get3A_350 : vector<1x1x16xf32> to vector<16xf32>
        %mul3A_352 = vector.broadcast %squeeze3A : f32 to vector<16xf32>
        %mul3A_353 = arith.mulf %get3A_351, %mul3A_352 : vector<16xf32>
        %swap3A_354 = arith.constant 3 : i32
        %swap3A_355 = arith.index_cast %swap3A_354 : i32 to index
        %swap3A_356 = arith.index_cast %add3A_331 : i32 to index
        %swap3A_357 = arith.constant 16 : index
        %swap3A_358 = tpu.vector_load %arg8[%swap3A_355, %swap3A_356, %swap3A_357] {strides = array<i32>} : memref<4x128x64xf32, #tpu.memory_space<vmem>>, vector<1x1x16xf32>,
        %swap3A_359 = vector.shape_cast %swap3A_358 : vector<1x1x16xf32> to vector<16xf32>
        %swap3A_360 = vector.shape_cast %mul3A_353 : vector<16xf32> to vector<1x1x16xf32>
        tpu.vector_store %arg8[%swap3A_355, %swap3A_356, %swap3A_357], %swap3A_360 {strides = array<i32>} : memref<4x128x64xf32, #tpu.memory_space<vmem>>, vector<1x1x16xf32>,
        %get3A_361 = arith.constant 3 : i32
        %get3A_362 = arith.index_cast %get3A_361 : i32 to index
        %get3A_363 = arith.index_cast %add3A_331 : i32 to index
        %get3A_364 = arith.constant 32 : index
        %get3A_365 = tpu.vector_load %arg7[%get3A_362, %get3A_363, %get3A_364] {strides = array<i32>} : memref<4x128x64xf32, #tpu.memory_space<vmem>>, vector<1x1x16xf32>,
        %get3A_366 = vector.shape_cast %get3A_365 : vector<1x1x16xf32> to vector<16xf32>
        %mul3A_367 = vector.broadcast %squeeze3A : f32 to vector<16xf32>
        %mul3A_368 = arith.mulf %get3A_366, %mul3A_367 : vector<16xf32>
        %swap3A_369 = arith.constant 3 : i32
        %swap3A_370 = arith.index_cast %swap3A_369 : i32 to index
        %swap3A_371 = arith.index_cast %add3A_331 : i32 to index
        %swap3A_372 = arith.constant 32 : index
        %swap3A_373 = tpu.vector_load %arg8[%swap3A_370, %swap3A_371, %swap3A_372] {strides = array<i32>} : memref<4x128x64xf32, #tpu.memory_space<vmem>>, vector<1x1x16xf32>,
        %swap3A_374 = vector.shape_cast %swap3A_373 : vector<1x1x16xf32> to vector<16xf32>
        %swap3A_375 = vector.shape_cast %mul3A_368 : vector<16xf32> to vector<1x1x16xf32>
        tpu.vector_store %arg8[%swap3A_370, %swap3A_371, %swap3A_372], %swap3A_375 {strides = array<i32>} : memref<4x128x64xf32, #tpu.memory_space<vmem>>, vector<1x1x16xf32>,
        %get3A_376 = arith.constant 3 : i32
        %get3A_377 = arith.index_cast %get3A_376 : i32 to index
        %get3A_378 = arith.index_cast %add3A_331 : i32 to index
        %get3A_379 = arith.constant 48 : index
        %get3A_380 = tpu.vector_load %arg7[%get3A_377, %get3A_378, %get3A_379] {strides = array<i32>} : memref<4x128x64xf32, #tpu.memory_space<vmem>>, vector<1x1x16xf32>,
        %get3A_381 = vector.shape_cast %get3A_380 : vector<1x1x16xf32> to vector<16xf32>
        %mul3A_382 = vector.broadcast %squeeze3A : f32 to vector<16xf32>
        %mul3A_383 = arith.mulf %get3A_381, %mul3A_382 : vector<16xf32>
        %swap3A_384 = arith.constant 3 : i32
        %swap3A_385 = arith.index_cast %swap3A_384 : i32 to index
        %swap3A_386 = arith.index_cast %add3A_331 : i32 to index
        %swap3A_387 = arith.constant 48 : index
        %swap3A_388 = tpu.vector_load %arg8[%swap3A_385, %swap3A_386, %swap3A_387] {strides = array<i32>} : memref<4x128x64xf32, #tpu.memory_space<vmem>>, vector<1x1x16xf32>,
        %swap3A_389 = vector.shape_cast %swap3A_388 : vector<1x1x16xf32> to vector<16xf32>
        %swap3A_390 = vector.shape_cast %mul3A_383 : vector<16xf32> to vector<1x1x16xf32>
        tpu.vector_store %arg8[%swap3A_385, %swap3A_386, %swap3A_387], %swap3A_390 {strides = array<i32>} : memref<4x128x64xf32, #tpu.memory_space<vmem>>, vector<1x1x16xf32>,
        %mul3A_391 = arith.constant 4 : i32
        %mul3A_392 = arith.muli %scan3A_327, %mul3A_391 : i32
        %add3A_393 = arith.constant 1 : i32
        %add3A_394 = arith.addi %mul3A_392, %add3A_393 : i32
        %get3A_395 = arith.constant 3 : i32
        %get3A_396 = arith.index_cast %get3A_395 : i32 to index
        %get3A_397 = arith.index_cast %add3A_394 : i32 to index
        %get3A_398 = arith.constant 0 : index
        %get3A_399 = tpu.vector_load %arg7[%get3A_396, %get3A_397, %get3A_398] {strides = array<i32>} : memref<4x128x64xf32, #tpu.memory_space<vmem>>, vector<1x1x16xf32>,
        %get3A_400 = vector.shape_cast %get3A_399 : vector<1x1x16xf32> to vector<16xf32>
        %mul3A_401 = vector.broadcast %squeeze3A : f32 to vector<16xf32>
        %mul3A_402 = arith.mulf %get3A_400, %mul3A_401 : vector<16xf32>
        %swap3A_403 = arith.constant 3 : i32
        %swap3A_404 = arith.index_cast %swap3A_403 : i32 to index
        %swap3A_405 = arith.index_cast %add3A_394 : i32 to index
        %swap3A_406 = arith.constant 0 : index
        %swap3A_407 = tpu.vector_load %arg8[%swap3A_404, %swap3A_405, %swap3A_406] {strides = array<i32>} : memref<4x128x64xf32, #tpu.memory_space<vmem>>, vector<1x1x16xf32>,
        %swap3A_408 = vector.shape_cast %swap3A_407 : vector<1x1x16xf32> to vector<16xf32>
        %swap3A_409 = vector.shape_cast %mul3A_402 : vector<16xf32> to vector<1x1x16xf32>
        tpu.vector_store %arg8[%swap3A_404, %swap3A_405, %swap3A_406], %swap3A_409 {strides = array<i32>} : memref<4x128x64xf32, #tpu.memory_space<vmem>>, vector<1x1x16xf32>,
        %get3A_410 = arith.constant 3 : i32
        %get3A_411 = arith.index_cast %get3A_410 : i32 to index
        %get3A_412 = arith.index_cast %add3A_394 : i32 to index
        %get3A_413 = arith.constant 16 : index
        %get3A_414 = tpu.vector_load %arg7[%get3A_411, %get3A_412, %get3A_413] {strides = array<i32>} : memref<4x128x64xf32, #tpu.memory_space<vmem>>, vector<1x1x16xf32>,
        %get3A_415 = vector.shape_cast %get3A_414 : vector<1x1x16xf32> to vector<16xf32>
        %mul3A_416 = vector.broadcast %squeeze3A : f32 to vector<16xf32>
        %mul3A_417 = arith.mulf %get3A_415, %mul3A_416 : vector<16xf32>
        %swap3A_418 = arith.constant 3 : i32
        %swap3A_419 = arith.index_cast %swap3A_418 : i32 to index
        %swap3A_420 = arith.index_cast %add3A_394 : i32 to index
        %swap3A_421 = arith.constant 16 : index
        %swap3A_422 = tpu.vector_load %arg8[%swap3A_419, %swap3A_420, %swap3A_421] {strides = array<i32>} : memref<4x128x64xf32, #tpu.memory_space<vmem>>, vector<1x1x16xf32>,
        %swap3A_423 = vector.shape_cast %swap3A_422 : vector<1x1x16xf32> to vector<16xf32>
        %swap3A_424 = vector.shape_cast %mul3A_417 : vector<16xf32> to vector<1x1x16xf32>
        tpu.vector_store %arg8[%swap3A_419, %swap3A_420, %swap3A_421], %swap3A_424 {strides = array<i32>} : memref<4x128x64xf32, #tpu.memory_space<vmem>>, vector<1x1x16xf32>,
        %get3A_425 = arith.constant 3 : i32
        %get3A_426 = arith.index_cast %get3A_425 : i32 to index
        %get3A_427 = arith.index_cast %add3A_394 : i32 to index
        %get3A_428 = arith.constant 32 : index
        %get3A_429 = tpu.vector_load %arg7[%get3A_426, %get3A_427, %get3A_428] {strides = array<i32>} : memref<4x128x64xf32, #tpu.memory_space<vmem>>, vector<1x1x16xf32>,
        %get3A_430 = vector.shape_cast %get3A_429 : vector<1x1x16xf32> to vector<16xf32>
        %mul3A_431 = vector.broadcast %squeeze3A : f32 to vector<16xf32>
        %mul3A_432 = arith.mulf %get3A_430, %mul3A_431 : vector<16xf32>
        %swap3A_433 = arith.constant 3 : i32
        %swap3A_434 = arith.index_cast %swap3A_433 : i32 to index
        %swap3A_435 = arith.index_cast %add3A_394 : i32 to index
        %swap3A_436 = arith.constant 32 : index
        %swap3A_437 = tpu.vector_load %arg8[%swap3A_434, %swap3A_435, %swap3A_436] {strides = array<i32>} : memref<4x128x64xf32, #tpu.memory_space<vmem>>, vector<1x1x16xf32>,
        %swap3A_438 = vector.shape_cast %swap3A_437 : vector<1x1x16xf32> to vector<16xf32>
        %swap3A_439 = vector.shape_cast %mul3A_432 : vector<16xf32> to vector<1x1x16xf32>
        tpu.vector_store %arg8[%swap3A_434, %swap3A_435, %swap3A_436], %swap3A_439 {strides = array<i32>} : memref<4x128x64xf32, #tpu.memory_space<vmem>>, vector<1x1x16xf32>,
        %get3A_440 = arith.constant 3 : i32
        %get3A_441 = arith.index_cast %get3A_440 : i32 to index
        %get3A_442 = arith.index_cast %add3A_394 : i32 to index
        %get3A_443 = arith.constant 48 : index
        %get3A_444 = tpu.vector_load %arg7[%get3A_441, %get3A_442, %get3A_443] {strides = array<i32>} : memref<4x128x64xf32, #tpu.memory_space<vmem>>, vector<1x1x16xf32>,
        %get3A_445 = vector.shape_cast %get3A_444 : vector<1x1x16xf32> to vector<16xf32>
        %mul3A_446 = vector.broadcast %squeeze3A : f32 to vector<16xf32>
        %mul3A_447 = arith.mulf %get3A_445, %mul3A_446 : vector<16xf32>
        %swap3A_448 = arith.constant 3 : i32
        %swap3A_449 = arith.index_cast %swap3A_448 : i32 to index
        %swap3A_450 = arith.index_cast %add3A_394 : i32 to index
        %swap3A_451 = arith.constant 48 : index
        %swap3A_452 = tpu.vector_load %arg8[%swap3A_449, %swap3A_450, %swap3A_451] {strides = array<i32>} : memref<4x128x64xf32, #tpu.memory_space<vmem>>, vector<1x1x16xf32>,
        %swap3A_453 = vector.shape_cast %swap3A_452 : vector<1x1x16xf32> to vector<16xf32>
        %swap3A_454 = vector.shape_cast %mul3A_447 : vector<16xf32> to vector<1x1x16xf32>
        tpu.vector_store %arg8[%swap3A_449, %swap3A_450, %swap3A_451], %swap3A_454 {strides = array<i32>} : memref<4x128x64xf32, #tpu.memory_space<vmem>>, vector<1x1x16xf32>,
        %mul3A_455 = arith.constant 4 : i32
        %mul3A_456 = arith.muli %scan3A_327, %mul3A_455 : i32
        %add3A_457 = arith.constant 2 : i32
        %add3A_458 = arith.addi %mul3A_456, %add3A_457 : i32
        %get3A_459 = arith.constant 3 : i32
        %get3A_460 = arith.index_cast %get3A_459 : i32 to index
        %get3A_461 = arith.index_cast %add3A_458 : i32 to index
        %get3A_462 = arith.constant 0 : index
        %get3A_463 = tpu.vector_load %arg7[%get3A_460, %get3A_461, %get3A_462] {strides = array<i32>} : memref<4x128x64xf32, #tpu.memory_space<vmem>>, vector<1x1x16xf32>,
        %get3A_464 = vector.shape_cast %get3A_463 : vector<1x1x16xf32> to vector<16xf32>
        %mul3A_465 = vector.broadcast %squeeze3A : f32 to vector<16xf32>
        %mul3A_466 = arith.mulf %get3A_464, %mul3A_465 : vector<16xf32>
        %swap3A_467 = arith.constant 3 : i32
        %swap3A_468 = arith.index_cast %swap3A_467 : i32 to index
        %swap3A_469 = arith.index_cast %add3A_458 : i32 to index
        %swap3A_470 = arith.constant 0 : index
        %swap3A_471 = tpu.vector_load %arg8[%swap3A_468, %swap3A_469, %swap3A_470] {strides = array<i32>} : memref<4x128x64xf32, #tpu.memory_space<vmem>>, vector<1x1x16xf32>,
        %swap3A_472 = vector.shape_cast %swap3A_471 : vector<1x1x16xf32> to vector<16xf32>
        %swap3A_473 = vector.shape_cast %mul3A_466 : vector<16xf32> to vector<1x1x16xf32>
        tpu.vector_store %arg8[%swap3A_468, %swap3A_469, %swap3A_470], %swap3A_473 {strides = array<i32>} : memref<4x128x64xf32, #tpu.memory_space<vmem>>, vector<1x1x16xf32>,
        %get3A_474 = arith.constant 3 : i32
        %get3A_475 = arith.index_cast %get3A_474 : i32 to index
        %get3A_476 = arith.index_cast %add3A_458 : i32 to index
        %get3A_477 = arith.constant 16 : index
        %get3A_478 = tpu.vector_load %arg7[%get3A_475, %get3A_476, %get3A_477] {strides = array<i32>} : memref<4x128x64xf32, #tpu.memory_space<vmem>>, vector<1x1x16xf32>,
        %get3A_479 = vector.shape_cast %get3A_478 : vector<1x1x16xf32> to vector<16xf32>
        %mul3A_480 = vector.broadcast %squeeze3A : f32 to vector<16xf32>
        %mul3A_481 = arith.mulf %get3A_479, %mul3A_480 : vector<16xf32>
        %swap3A_482 = arith.constant 3 : i32
        %swap3A_483 = arith.index_cast %swap3A_482 : i32 to index
        %swap3A_484 = arith.index_cast %add3A_458 : i32 to index
        %swap3A_485 = arith.constant 16 : index
        %swap3A_486 = tpu.vector_load %arg8[%swap3A_483, %swap3A_484, %swap3A_485] {strides = array<i32>} : memref<4x128x64xf32, #tpu.memory_space<vmem>>, vector<1x1x16xf32>,
        %swap3A_487 = vector.shape_cast %swap3A_486 : vector<1x1x16xf32> to vector<16xf32>
        %swap3A_488 = vector.shape_cast %mul3A_481 : vector<16xf32> to vector<1x1x16xf32>
        tpu.vector_store %arg8[%swap3A_483, %swap3A_484, %swap3A_485], %swap3A_488 {strides = array<i32>} : memref<4x128x64xf32, #tpu.memory_space<vmem>>, vector<1x1x16xf32>,
        %get3A_489 = arith.constant 3 : i32
        %get3A_490 = arith.index_cast %get3A_489 : i32 to index
        %get3A_491 = arith.index_cast %add3A_458 : i32 to index
        %get3A_492 = arith.constant 32 : index
        %get3A_493 = tpu.vector_load %arg7[%get3A_490, %get3A_491, %get3A_492] {strides = array<i32>} : memref<4x128x64xf32, #tpu.memory_space<vmem>>, vector<1x1x16xf32>,
        %get3A_494 = vector.shape_cast %get3A_493 : vector<1x1x16xf32> to vector<16xf32>
        %mul3A_495 = vector.broadcast %squeeze3A : f32 to vector<16xf32>
        %mul3A_496 = arith.mulf %get3A_494, %mul3A_495 : vector<16xf32>
        %swap3A_497 = arith.constant 3 : i32
        %swap3A_498 = arith.index_cast %swap3A_497 : i32 to index
        %swap3A_499 = arith.index_cast %add3A_458 : i32 to index
        %swap3A_500 = arith.constant 32 : index
        %swap3A_501 = tpu.vector_load %arg8[%swap3A_498, %swap3A_499, %swap3A_500] {strides = array<i32>} : memref<4x128x64xf32, #tpu.memory_space<vmem>>, vector<1x1x16xf32>,
        %swap3A_502 = vector.shape_cast %swap3A_501 : vector<1x1x16xf32> to vector<16xf32>
        %swap3A_503 = vector.shape_cast %mul3A_496 : vector<16xf32> to vector<1x1x16xf32>
        tpu.vector_store %arg8[%swap3A_498, %swap3A_499, %swap3A_500], %swap3A_503 {strides = array<i32>} : memref<4x128x64xf32, #tpu.memory_space<vmem>>, vector<1x1x16xf32>,
        %get3A_504 = arith.constant 3 : i32
        %get3A_505 = arith.index_cast %get3A_504 : i32 to index
        %get3A_506 = arith.index_cast %add3A_458 : i32 to index
        %get3A_507 = arith.constant 48 : index
        %get3A_508 = tpu.vector_load %arg7[%get3A_505, %get3A_506, %get3A_507] {strides = array<i32>} : memref<4x128x64xf32, #tpu.memory_space<vmem>>, vector<1x1x16xf32>,
        %get3A_509 = vector.shape_cast %get3A_508 : vector<1x1x16xf32> to vector<16xf32>
        %mul3A_510 = vector.broadcast %squeeze3A : f32 to vector<16xf32>
        %mul3A_511 = arith.mulf %get3A_509, %mul3A_510 : vector<16xf32>
        %swap3A_512 = arith.constant 3 : i32
        %swap3A_513 = arith.index_cast %swap3A_512 : i32 to index
        %swap3A_514 = arith.index_cast %add3A_458 : i32 to index
        %swap3A_515 = arith.constant 48 : index
        %swap3A_516 = tpu.vector_load %arg8[%swap3A_513, %swap3A_514, %swap3A_515] {strides = array<i32>} : memref<4x128x64xf32, #tpu.memory_space<vmem>>, vector<1x1x16xf32>,
        %swap3A_517 = vector.shape_cast %swap3A_516 : vector<1x1x16xf32> to vector<16xf32>
        %swap3A_518 = vector.shape_cast %mul3A_511 : vector<16xf32> to vector<1x1x16xf32>
        tpu.vector_store %arg8[%swap3A_513, %swap3A_514, %swap3A_515], %swap3A_518 {strides = array<i32>} : memref<4x128x64xf32, #tpu.memory_space<vmem>>, vector<1x1x16xf32>,
        %mul3A_519 = arith.constant 4 : i32
        %mul3A_520 = arith.muli %scan3A_327, %mul3A_519 : i32
        %add3A_521 = arith.constant 3 : i32
        %add3A_522 = arith.addi %mul3A_520, %add3A_521 : i32
        %get3A_523 = arith.constant 3 : i32
        %get3A_524 = arith.index_cast %get3A_523 : i32 to index
        %get3A_525 = arith.index_cast %add3A_522 : i32 to index
        %get3A_526 = arith.constant 0 : index
        %get3A_527 = tpu.vector_load %arg7[%get3A_524, %get3A_525, %get3A_526] {strides = array<i32>} : memref<4x128x64xf32, #tpu.memory_space<vmem>>, vector<1x1x16xf32>,
        %get3A_528 = vector.shape_cast %get3A_527 : vector<1x1x16xf32> to vector<16xf32>
        %mul3A_529 = vector.broadcast %squeeze3A : f32 to vector<16xf32>
        %mul3A_530 = arith.mulf %get3A_528, %mul3A_529 : vector<16xf32>
        %swap3A_531 = arith.constant 3 : i32
        %swap3A_532 = arith.index_cast %swap3A_531 : i32 to index
        %swap3A_533 = arith.index_cast %add3A_522 : i32 to index
        %swap3A_534 = arith.constant 0 : index
        %swap3A_535 = tpu.vector_load %arg8[%swap3A_532, %swap3A_533, %swap3A_534] {strides = array<i32>} : memref<4x128x64xf32, #tpu.memory_space<vmem>>, vector<1x1x16xf32>,
        %swap3A_536 = vector.shape_cast %swap3A_535 : vector<1x1x16xf32> to vector<16xf32>
        %swap3A_537 = vector.shape_cast %mul3A_530 : vector<16xf32> to vector<1x1x16xf32>
        tpu.vector_store %arg8[%swap3A_532, %swap3A_533, %swap3A_534], %swap3A_537 {strides = array<i32>} : memref<4x128x64xf32, #tpu.memory_space<vmem>>, vector<1x1x16xf32>,
        %get3A_538 = arith.constant 3 : i32
        %get3A_539 = arith.index_cast %get3A_538 : i32 to index
        %get3A_540 = arith.index_cast %add3A_522 : i32 to index
        %get3A_541 = arith.constant 16 : index
        %get3A_542 = tpu.vector_load %arg7[%get3A_539, %get3A_540, %get3A_541] {strides = array<i32>} : memref<4x128x64xf32, #tpu.memory_space<vmem>>, vector<1x1x16xf32>,
        %get3A_543 = vector.shape_cast %get3A_542 : vector<1x1x16xf32> to vector<16xf32>
        %mul3A_544 = vector.broadcast %squeeze3A : f32 to vector<16xf32>
        %mul3A_545 = arith.mulf %get3A_543, %mul3A_544 : vector<16xf32>
        %swap3A_546 = arith.constant 3 : i32
        %swap3A_547 = arith.index_cast %swap3A_546 : i32 to index
        %swap3A_548 = arith.index_cast %add3A_522 : i32 to index
        %swap3A_549 = arith.constant 16 : index
        %swap3A_550 = tpu.vector_load %arg8[%swap3A_547, %swap3A_548, %swap3A_549] {strides = array<i32>} : memref<4x128x64xf32, #tpu.memory_space<vmem>>, vector<1x1x16xf32>,
        %swap3A_551 = vector.shape_cast %swap3A_550 : vector<1x1x16xf32> to vector<16xf32>
        %swap3A_552 = vector.shape_cast %mul3A_545 : vector<16xf32> to vector<1x1x16xf32>
        tpu.vector_store %arg8[%swap3A_547, %swap3A_548, %swap3A_549], %swap3A_552 {strides = array<i32>} : memref<4x128x64xf32, #tpu.memory_space<vmem>>, vector<1x1x16xf32>,
        %get3A_553 = arith.constant 3 : i32
        %get3A_554 = arith.index_cast %get3A_553 : i32 to index
        %get3A_555 = arith.index_cast %add3A_522 : i32 to index
        %get3A_556 = arith.constant 32 : index
        %get3A_557 = tpu.vector_load %arg7[%get3A_554, %get3A_555, %get3A_556] {strides = array<i32>} : memref<4x128x64xf32, #tpu.memory_space<vmem>>, vector<1x1x16xf32>,
        %get3A_558 = vector.shape_cast %get3A_557 : vector<1x1x16xf32> to vector<16xf32>
        %mul3A_559 = vector.broadcast %squeeze3A : f32 to vector<16xf32>
        %mul3A_560 = arith.mulf %get3A_558, %mul3A_559 : vector<16xf32>
        %swap3A_561 = arith.constant 3 : i32
        %swap3A_562 = arith.index_cast %swap3A_561 : i32 to index
        %swap3A_563 = arith.index_cast %add3A_522 : i32 to index
        %swap3A_564 = arith.constant 32 : index
        %swap3A_565 = tpu.vector_load %arg8[%swap3A_562, %swap3A_563, %swap3A_564] {strides = array<i32>} : memref<4x128x64xf32, #tpu.memory_space<vmem>>, vector<1x1x16xf32>,
        %swap3A_566 = vector.shape_cast %swap3A_565 : vector<1x1x16xf32> to vector<16xf32>
        %swap3A_567 = vector.shape_cast %mul3A_560 : vector<16xf32> to vector<1x1x16xf32>
        tpu.vector_store %arg8[%swap3A_562, %swap3A_563, %swap3A_564], %swap3A_567 {strides = array<i32>} : memref<4x128x64xf32, #tpu.memory_space<vmem>>, vector<1x1x16xf32>,
        %get3A_568 = arith.constant 3 : i32
        %get3A_569 = arith.index_cast %get3A_568 : i32 to index
        %get3A_570 = arith.index_cast %add3A_522 : i32 to index
        %get3A_571 = arith.constant 48 : index
        %get3A_572 = tpu.vector_load %arg7[%get3A_569, %get3A_570, %get3A_571] {strides = array<i32>} : memref<4x128x64xf32, #tpu.memory_space<vmem>>, vector<1x1x16xf32>,
        %get3A_573 = vector.shape_cast %get3A_572 : vector<1x1x16xf32> to vector<16xf32>
        %mul3A_574 = vector.broadcast %squeeze3A : f32 to vector<16xf32>
        %mul3A_575 = arith.mulf %get3A_573, %mul3A_574 : vector<16xf32>
        %swap3A_576 = arith.constant 3 : i32
        %swap3A_577 = arith.index_cast %swap3A_576 : i32 to index
        %swap3A_578 = arith.index_cast %add3A_522 : i32 to index
        %swap3A_579 = arith.constant 48 : index
        %swap3A_580 = tpu.vector_load %arg8[%swap3A_577, %swap3A_578, %swap3A_579] {strides = array<i32>} : memref<4x128x64xf32, #tpu.memory_space<vmem>>, vector<1x1x16xf32>,
        %swap3A_581 = vector.shape_cast %swap3A_580 : vector<1x1x16xf32> to vector<16xf32>
        %swap3A_582 = vector.shape_cast %mul3A_575 : vector<16xf32> to vector<1x1x16xf32>
        tpu.vector_store %arg8[%swap3A_577, %swap3A_578, %swap3A_579], %swap3A_582 {strides = array<i32>} : memref<4x128x64xf32, #tpu.memory_space<vmem>>, vector<1x1x16xf32>,
      }
      %scan3A_303 = arith.constant 32 : i32
      %add3A_304 = arith.addi %mul3A_4, %add3A_277 : i32
      %mul3A_305 = arith.constant 128 : i32
      %mul3A_306 = arith.muli %add3A_304, %mul3A_305 : i32
      %dma_start3A_307 = arith.constant 3 : i32
      %dma_start3A_308 = arith.constant 0 : i32
      %dma_start3A_309 = arith.constant 0 : i32
      %dma_start3A_310 = tpu.memref_slice %arg8[%dma_start3A_307, %dma_start3A_308, %dma_start3A_309] : memref<4x128x64xf32, #tpu.memory_space<vmem>> -> memref<1x128x64xf32, #tpu.memory_space<vmem>>
      %dma_start3A_311 = tpu.memref_squeeze %dma_start3A_310 : memref<1x128x64xf32, #tpu.memory_space<vmem>> -> memref<128x64xf32, #tpu.memory_space<vmem>>
      %dma_start3A_312 = arith.constant 0 : i32
      %dma_start3A_313 = tpu.memref_slice %arg5[%mul3A_306, %dma_start3A_312] : memref<819200x64xf32, #tpu.memory_space<hbm>> -> memref<128x64xf32, #tpu.memory_space<hbm>>
      %dma_start3A_314 = arith.constant 0 : i32
      %dma_start3A_315 = tpu.memref_slice %arg5[%mul3A_306, %dma_start3A_314] : memref<819200x64xf32, #tpu.memory_space<hbm>> -> memref<128x64xf32, #tpu.memory_space<hbm>>
      %dma_start3A_316 = arith.constant 0 : i32
      %dma_start3A_317 = arith.constant 0 : i32
      %dma_start3A_318 = tpu.memref_slice %arg8[%dma_start3A_307, %dma_start3A_316, %dma_start3A_317] : memref<4x128x64xf32, #tpu.memory_space<vmem>> -> memref<1x128x64xf32, #tpu.memory_space<vmem>>
      %dma_start3A_319 = tpu.memref_squeeze %dma_start3A_318 : memref<1x128x64xf32, #tpu.memory_space<vmem>> -> memref<128x64xf32, #tpu.memory_space<vmem>>
      tpu.enqueue_dma source(%dma_start3A_319 : memref<128x64xf32, #tpu.memory_space<vmem>>) target(%dma_start3A_315 : memref<128x64xf32, #tpu.memory_space<hbm>>) target_semaphore(%arg10 : memref<!tpu.dma_semaphore, #tpu.memory_space<semaphore_mem>>)
      %add3A_320 = arith.constant 1 : i32
      %add3A_321 = arith.addi %scan3A_124, %add3A_320 : i32
      %lt3A_322 = arith.constant 50 : i32
      %lt3A_323 = arith.cmpi slt, %add3A_321, %lt3A_322 : i32
      %convert_element_type3A_324 = arith.extui %lt3A_323 : i1 to i32
      %cond3A_325 = arith.constant 0 : i32
      %cond3A_326 = arith.cmpi ne, %convert_element_type3A_324, %cond3A_325 : i32
      scf.if %cond3A_326 {
        %add3A_327 = arith.constant 4 : i32
        %add3A_328 = arith.addi %add3A_277, %add3A_327 : i32
        %dma_start3A_329 = arith.constant 3 : i32
        %dma_start3A_330 = arith.constant 0 : i32
        %dma_start3A_331 = arith.constant 0 : i32
        %dma_start3A_332 = tpu.memref_slice %arg7[%dma_start3A_329, %dma_start3A_330, %dma_start3A_331] : memref<4x128x64xf32, #tpu.memory_space<vmem>> -> memref<1x128x64xf32, #tpu.memory_space<vmem>>
        %dma_start3A_333 = tpu.memref_squeeze %dma_start3A_332 : memref<1x128x64xf32, #tpu.memory_space<vmem>> -> memref<128x64xf32, #tpu.memory_space<vmem>>
        %dma_start3A_334 = arith.constant 0 : i32
        %dma_start3A_335 = tpu.memref_slice %arg6[%add3A_328, %dma_start3A_334] : memref<200x128xi32, #tpu.memory_space<vmem>> -> memref<1x128xi32, #tpu.memory_space<vmem>>
        %dma_start3A_336 = tpu.memref_squeeze %dma_start3A_335 : memref<1x128xi32, #tpu.memory_space<vmem>> -> memref<128xi32, #tpu.memory_space<vmem>>
        %dma_start3A_337 = arith.constant 0 : i32
        %dma_start3A_338 = arith.constant 0 : i32
        %dma_start3A_339 = tpu.memref_slice %arg3[%dma_start3A_337, %dma_start3A_338] : memref<1000000x64xf32, #tpu.memory_space<hbm>> -> memref<1000000x64xf32, #tpu.memory_space<hbm>>
        tpu.enqueue_indirect_dma source(%dma_start3A_339 : memref<1000000x64xf32, #tpu.memory_space<hbm>>) target(%dma_start3A_333 : memref<128x64xf32, #tpu.memory_space<vmem>>) offsets(%dma_start3A_336 : memref<128xi32, #tpu.memory_space<vmem>>) semaphore(%arg9 : memref<!tpu.dma_semaphore, #tpu.memory_space<semaphore_mem>>)
      } else {
      }
    }
    %scan3A_56 = arith.constant 50 : i32
    %add3A_57 = arith.constant 196 : i32
    %add3A_58 = arith.addi %mul3A_4, %add3A_57 : i32
    %mul3A_59 = arith.constant 128 : i32
    %mul3A_60 = arith.muli %add3A_58, %mul3A_59 : i32
    %dma_wait3A = arith.constant 0 : i32
    %dma_wait3A_61 = arith.constant 0 : i32
    %dma_wait3A_62 = arith.constant 0 : i32
    %dma_wait3A_63 = tpu.memref_slice %arg8[%dma_wait3A, %dma_wait3A_61, %dma_wait3A_62] : memref<4x128x64xf32, #tpu.memory_space<vmem>> -> memref<1x128x64xf32, #tpu.memory_space<vmem>>
    %dma_wait3A_64 = tpu.memref_squeeze %dma_wait3A_63 : memref<1x128x64xf32, #tpu.memory_space<vmem>> -> memref<128x64xf32, #tpu.memory_space<vmem>>
    %dma_wait3A_65 = arith.constant 0 : i32
    %dma_wait3A_66 = tpu.memref_slice %arg5[%mul3A_60, %dma_wait3A_65] : memref<819200x64xf32, #tpu.memory_space<hbm>> -> memref<128x64xf32, #tpu.memory_space<hbm>>
    %dma_wait3A_67 = arith.constant 0 : i32
    %dma_wait3A_68 = tpu.memref_slice %arg5[%mul3A_60, %dma_wait3A_67] : memref<819200x64xf32, #tpu.memory_space<hbm>> -> memref<128x64xf32, #tpu.memory_space<hbm>>
    %dma_wait3A_69 = arith.constant 0 : i32
    %dma_wait3A_70 = arith.constant 0 : i32
    %dma_wait3A_71 = tpu.memref_slice %arg8[%dma_wait3A, %dma_wait3A_69, %dma_wait3A_70] : memref<4x128x64xf32, #tpu.memory_space<vmem>> -> memref<1x128x64xf32, #tpu.memory_space<vmem>>
    %dma_wait3A_72 = tpu.memref_squeeze %dma_wait3A_71 : memref<1x128x64xf32, #tpu.memory_space<vmem>> -> memref<128x64xf32, #tpu.memory_space<vmem>>
    tpu.wait_dma2 semaphore(%arg10 : memref<!tpu.dma_semaphore, #tpu.memory_space<semaphore_mem>>) src(%dma_wait3A_72 : memref<128x64xf32, #tpu.memory_space<vmem>>) dst(%dma_wait3A_68 : memref<128x64xf32, #tpu.memory_space<hbm>>)
    %add3A_73 = arith.constant 197 : i32
    %add3A_74 = arith.addi %mul3A_4, %add3A_73 : i32
    %mul3A_75 = arith.constant 128 : i32
    %mul3A_76 = arith.muli %add3A_74, %mul3A_75 : i32
    %dma_wait3A_77 = arith.constant 1 : i32
    %dma_wait3A_78 = arith.constant 0 : i32
    %dma_wait3A_79 = arith.constant 0 : i32
    %dma_wait3A_80 = tpu.memref_slice %arg8[%dma_wait3A_77, %dma_wait3A_78, %dma_wait3A_79] : memref<4x128x64xf32, #tpu.memory_space<vmem>> -> memref<1x128x64xf32, #tpu.memory_space<vmem>>
    %dma_wait3A_81 = tpu.memref_squeeze %dma_wait3A_80 : memref<1x128x64xf32, #tpu.memory_space<vmem>> -> memref<128x64xf32, #tpu.memory_space<vmem>>
    %dma_wait3A_82 = arith.constant 0 : i32
    %dma_wait3A_83 = tpu.memref_slice %arg5[%mul3A_76, %dma_wait3A_82] : memref<819200x64xf32, #tpu.memory_space<hbm>> -> memref<128x64xf32, #tpu.memory_space<hbm>>
    %dma_wait3A_84 = arith.constant 0 : i32
    %dma_wait3A_85 = tpu.memref_slice %arg5[%mul3A_76, %dma_wait3A_84] : memref<819200x64xf32, #tpu.memory_space<hbm>> -> memref<128x64xf32, #tpu.memory_space<hbm>>
    %dma_wait3A_86 = arith.constant 0 : i32
    %dma_wait3A_87 = arith.constant 0 : i32
    %dma_wait3A_88 = tpu.memref_slice %arg8[%dma_wait3A_77, %dma_wait3A_86, %dma_wait3A_87] : memref<4x128x64xf32, #tpu.memory_space<vmem>> -> memref<1x128x64xf32, #tpu.memory_space<vmem>>
    %dma_wait3A_89 = tpu.memref_squeeze %dma_wait3A_88 : memref<1x128x64xf32, #tpu.memory_space<vmem>> -> memref<128x64xf32, #tpu.memory_space<vmem>>
    tpu.wait_dma2 semaphore(%arg10 : memref<!tpu.dma_semaphore, #tpu.memory_space<semaphore_mem>>) src(%dma_wait3A_89 : memref<128x64xf32, #tpu.memory_space<vmem>>) dst(%dma_wait3A_85 : memref<128x64xf32, #tpu.memory_space<hbm>>)
    %add3A_90 = arith.constant 198 : i32
    %add3A_91 = arith.addi %mul3A_4, %add3A_90 : i32
    %mul3A_92 = arith.constant 128 : i32
    %mul3A_93 = arith.muli %add3A_91, %mul3A_92 : i32
    %dma_wait3A_94 = arith.constant 2 : i32
    %dma_wait3A_95 = arith.constant 0 : i32
    %dma_wait3A_96 = arith.constant 0 : i32
    %dma_wait3A_97 = tpu.memref_slice %arg8[%dma_wait3A_94, %dma_wait3A_95, %dma_wait3A_96] : memref<4x128x64xf32, #tpu.memory_space<vmem>> -> memref<1x128x64xf32, #tpu.memory_space<vmem>>
    %dma_wait3A_98 = tpu.memref_squeeze %dma_wait3A_97 : memref<1x128x64xf32, #tpu.memory_space<vmem>> -> memref<128x64xf32, #tpu.memory_space<vmem>>
    %dma_wait3A_99 = arith.constant 0 : i32
    %dma_wait3A_100 = tpu.memref_slice %arg5[%mul3A_93, %dma_wait3A_99] : memref<819200x64xf32, #tpu.memory_space<hbm>> -> memref<128x64xf32, #tpu.memory_space<hbm>>
    %dma_wait3A_101 = arith.constant 0 : i32
    %dma_wait3A_102 = tpu.memref_slice %arg5[%mul3A_93, %dma_wait3A_101] : memref<819200x64xf32, #tpu.memory_space<hbm>> -> memref<128x64xf32, #tpu.memory_space<hbm>>
    %dma_wait3A_103 = arith.constant 0 : i32
    %dma_wait3A_104 = arith.constant 0 : i32
    %dma_wait3A_105 = tpu.memref_slice %arg8[%dma_wait3A_94, %dma_wait3A_103, %dma_wait3A_104] : memref<4x128x64xf32, #tpu.memory_space<vmem>> -> memref<1x128x64xf32, #tpu.memory_space<vmem>>
    %dma_wait3A_106 = tpu.memref_squeeze %dma_wait3A_105 : memref<1x128x64xf32, #tpu.memory_space<vmem>> -> memref<128x64xf32, #tpu.memory_space<vmem>>
    tpu.wait_dma2 semaphore(%arg10 : memref<!tpu.dma_semaphore, #tpu.memory_space<semaphore_mem>>) src(%dma_wait3A_106 : memref<128x64xf32, #tpu.memory_space<vmem>>) dst(%dma_wait3A_102 : memref<128x64xf32, #tpu.memory_space<hbm>>)
    %add3A_107 = arith.constant 199 : i32
    %add3A_108 = arith.addi %mul3A_4, %add3A_107 : i32
    %mul3A_109 = arith.constant 128 : i32
    %mul3A_110 = arith.muli %add3A_108, %mul3A_109 : i32
    %dma_wait3A_111 = arith.constant 3 : i32
    %dma_wait3A_112 = arith.constant 0 : i32
    %dma_wait3A_113 = arith.constant 0 : i32
    %dma_wait3A_114 = tpu.memref_slice %arg8[%dma_wait3A_111, %dma_wait3A_112, %dma_wait3A_113] : memref<4x128x64xf32, #tpu.memory_space<vmem>> -> memref<1x128x64xf32, #tpu.memory_space<vmem>>
    %dma_wait3A_115 = tpu.memref_squeeze %dma_wait3A_114 : memref<1x128x64xf32, #tpu.memory_space<vmem>> -> memref<128x64xf32, #tpu.memory_space<vmem>>
    %dma_wait3A_116 = arith.constant 0 : i32
    %dma_wait3A_117 = tpu.memref_slice %arg5[%mul3A_110, %dma_wait3A_116] : memref<819200x64xf32, #tpu.memory_space<hbm>> -> memref<128x64xf32, #tpu.memory_space<hbm>>
    %dma_wait3A_118 = arith.constant 0 : i32
    %dma_wait3A_119 = tpu.memref_slice %arg5[%mul3A_110, %dma_wait3A_118] : memref<819200x64xf32, #tpu.memory_space<hbm>> -> memref<128x64xf32, #tpu.memory_space<hbm>>
    %dma_wait3A_120 = arith.constant 0 : i32
    %dma_wait3A_121 = arith.constant 0 : i32
    %dma_wait3A_122 = tpu.memref_slice %arg8[%dma_wait3A_111, %dma_wait3A_120, %dma_wait3A_121] : memref<4x128x64xf32, #tpu.memory_space<vmem>> -> memref<1x128x64xf32, #tpu.memory_space<vmem>>
    %dma_wait3A_123 = tpu.memref_squeeze %dma_wait3A_122 : memref<1x128x64xf32, #tpu.memory_space<vmem>> -> memref<128x64xf32, #tpu.memory_space<vmem>>
    tpu.wait_dma2 semaphore(%arg10 : memref<!tpu.dma_semaphore, #tpu.memory_space<semaphore_mem>>) src(%dma_wait3A_123 : memref<128x64xf32, #tpu.memory_space<vmem>>) dst(%dma_wait3A_119 : memref<128x64xf32, #tpu.memory_space<hbm>>)
    return
  }
}

</mosaic_0001>

<sc_bundles>
// kernel: kernel.3.cloned.1.call-start
scs
__scs_entry_jumppad:
0x0: {  	(pc) =	sbr.rel $0x88, $3  }
0x1: {  	(tag) =	ssettag $0x0;
	lr =	simm.s32 $0x1  }
0x2: {  	[smem:$0x3F9F] =	sst lr;
	_ =	strace $0xD0000000  }
0x3: {  	_ = 	snop  }
0x4: {  	_ = 	snop  }
0x5: {  	_ = 	snop  }
0x6: {  	_ = 	snop  }
0x7: {  	_ = 	snop  }
__scs_overlays_trampoline_lowered:
0x8: {  	[smem:$0x3FAE] =	sst s0  }
0x9: {  	[smem:$0x3FAF] =	sst s1  }
0xa: {  	[smem:$0x3FB0] =	sst s2  }
0xb: {  	[smem:$0x3FB1] =	sst s3  }
0xc: {  	[smem:$0x3FB2] =	sst s4  }
0xd: {  	[smem:$0x3FB3] =	sst s5  }
0xe: {  	[smem:$0x3FB4] =	sst s6  }
0xf: {  	[smem:$0x3FB5] =	sst s7  }
0x10: {  	[smem:$0x3FB6] =	sst s8  }
0x11: {  	[smem:$0x3FB7] =	sst s9;
	s0 =	simm.s32 @!p0 $0x0  }
0x12: {  	s1 =	sld [smem:$0x3F9D];
	s0 =	simm.s32 @p0 $0x1  }
0x13: {  	[smem:$0x3FB8] =	sst s0;
	s0 =	simm.s32 @!p1 $0x0  }
0x14: {  	s2 =	sld [smem:$0x3F9C];
	s0 =	simm.s32 @p1 $0x1  }
0x15: {  	[smem:$0x3FB9] =	sst s0;
	s0 =	simm.s32 @!p2 $0x0  }
0x16: {  	s3 =	sld [smem:$0x3FDB];
	s0 =	simm.s32 @p2 $0x1  }
0x17: {  	s4 =	simm.s32 $0x1BF5;
	[smem:$0x3FBB] =	sst s0  }
0x18: {  	s0 =	sld [smem:$0x3F9E];
	_ =	swait.ge [sflag:s4], $0x0  }
0x19: {  	s7 =	sld [smem:$0x3F9F]  }
0x1a: {  	s8 =	sadd.s32 $0xFFFFE003, lr  }
0x1b: {  	s9 =	sadd.s32 $0xFFFFFEF7, lr;
	s5 =	simm.s32 $0xFFFFFFFF;
	p2 =	slt.u32 s8, $0xFFFFF086  }
0x1c: {  	p1 =	slt.u32 s9, $0xF7A;
	s5 =	simm.s32 @!p2 $0x0  }
0x1d: {  	s5 =	simm.s32 @p1 $0x1;
	p0 =	seq.s32 s7, s2  }
0x1e: {  	s7 =	smul.u32 @!p0 $0xF7A, s2;
	p2 =	seq.s32 @!p0 s5, $0x0  }
0x1f: {  	s9 =	smul.u32 $0xF7A, s1;
	s8 =	simm.s32 @!p0 $0x1BF5;
	p2 =	por !p2, p0  }
0x20: {  	[sflag:s8] =	ssyncset.s32 @!p0 $0xFFFFF086;
	s6 =	sadd.s32 @!p0 s3, s7;
	s7 =	simm.s32 @!p0 $0x108  }
0x21: {  	s3 =	sadd.s32 s3, s9;
	s6 =	sadd.s32 @!p0 $0x88, s6;
	s7 =	simm.s32 @p2 $0x1082  }
0x22: {  	[simem:s7], [sflag:s8] =	dma.local @!p0 [hbm:s6], $0xF7A  }
0x23: {  	s9 =	sor.u32 $0xD0000000, s2;
	s6 =	simm.s32 $0x108;
	_ =	swait.ge @!p0 [sflag:s8], $0x0  }
0x24: {  	s3 =	sadd.s32 $0x88, s3;
	s6 =	simm.s32 @!p1 $0x1082;
	[sflag:s4] =	ssyncset.s32 $0xFFFFF086  }
0x25: {  	[simem:s6], [sflag:s4] =	dma.local [hbm:s3], $0xF7A  }
0x26: {  	[smem:$0x3F9F] =	sst s1;
	(tag) =	ssettag s2;
	_ =	strace s9  }
0x27: {  	s1 =	sld [smem:$0x3FAF]  }
0x28: {  	s2 =	sld [smem:$0x3FB0]  }
0x29: {  	s4 =	sld [smem:$0x3FB2]  }
0x2a: {  	p0 =	seq.s32 s5, $0x0;
	s5 =	sld [smem:$0x3FB3]  }
0x2b: {  	s6 =	sld [smem:$0x3FB4]  }
0x2c: {  	s7 =	sld [smem:$0x3FB5]  }
0x2d: {  	s3 =	simm.s32 $0x108;
	s8 =	sld [smem:$0x3FB6]  }
0x2e: {  	s3 =	simm.s32 @!p0 $0x1082;
	s9 =	sld [smem:$0x3FB7]  }
0x2f: {  	lr =	sadd.s32 s0, s3;
	s0 =	sld [smem:$0x3FAE]  }
0x30: {  	s3 =	sld [smem:$0x3FB1]  }
0x31: {  	[smem:$0x3FBA] =	sst s10  }
0x32: {  	s10 =	sld [smem:$0x3FB8];
	_ =	sdelay $0x3  }
0x33: {  	p0 =	seq.s32 s10, $0x1;
	s10 =	sld [smem:$0x3FBA];
	_ =	sdelay $0x3  }
0x34: {  	[smem:$0x3FBA] =	sst s10  }
0x35: {  	s10 =	sld [smem:$0x3FB9];
	_ =	sdelay $0x3  }
0x36: {  	p1 =	seq.s32 s10, $0x1;
	s10 =	sld [smem:$0x3FBA];
	_ =	sdelay $0x3  }
0x37: {  	[smem:$0x3FBA] =	sst s10  }
0x38: {  	s10 =	sld [smem:$0x3FBB]  }
0x39: {  	_ = 	snop;
	(pc) =	sbr.ind lr, $3  }
0x3a: {  	_ = 	snop  }
0x3b: {  	_ = 	snop  }
0x3c: {  	p2 =	seq.s32 s10, $0x1;
	s10 =	sld [smem:$0x3FBA]  }
0x3d: {  	_ =	shalt  }
0x3e: {  	_ =	shalt  }
0x3f: {  	_ =	shalt  }
0x40: {  	_ =	shalt  }
0x41: {  	_ =	shalt  }
0x42: {  	_ =	shalt  }
0x43: {  	_ =	shalt  }
0x44: {  	_ =	shalt  }
0x45: {  	_ =	shalt  }
0x46: {  	_ =	shalt  }
0x47: {  	_ =	shalt  }
0x48: {  	_ =	shalt  }
0x49: {  	_ =	shalt  }
0x4a: {  	_ =	shalt  }
0x4b: {  	_ =	shalt  }
0x4c: {  	_ =	shalt  }
0x4d: {  	_ =	shalt  }
0x4e: {  	_ =	shalt  }
0x4f: {  	_ =	shalt  }
0x50: {  	_ =	shalt  }
0x51: {  	_ =	shalt  }
0x52: {  	_ =	shalt  }
0x53: {  	_ =	shalt  }
0x54: {  	_ =	shalt  }
0x55: {  	_ =	shalt  }
0x56: {  	_ =	shalt  }
0x57: {  	_ =	shalt  }
0x58: {  	_ =	shalt  }
0x59: {  	_ =	shalt  }
0x5a: {  	_ =	shalt  }
0x5b: {  	_ =	shalt  }
0x5c: {  	_ =	shalt  }
0x5d: {  	_ =	shalt  }
0x5e: {  	_ =	shalt  }
0x5f: {  	_ =	shalt  }
0x60: {  	_ =	shalt  }
0x61: {  	_ =	shalt  }
0x62: {  	_ =	shalt  }
0x63: {  	_ =	shalt  }
0x64: {  	_ =	shalt  }
0x65: {  	_ =	shalt  }
0x66: {  	_ =	shalt  }
0x67: {  	_ =	shalt  }
0x68: {  	_ =	shalt  }
0x69: {  	_ =	shalt  }
0x6a: {  	_ =	shalt  }
0x6b: {  	_ =	shalt  }
0x6c: {  	_ =	shalt  }
0x6d: {  	_ =	shalt  }
0x6e: {  	_ =	shalt  }
0x6f: {  	_ =	shalt  }
0x70: {  	_ =	shalt  }
0x71: {  	_ =	shalt  }
0x72: {  	_ =	shalt  }
0x73: {  	_ =	shalt  }
0x74: {  	_ =	shalt  }
0x75: {  	_ =	shalt  }
0x76: {  	_ =	shalt  }
0x77: {  	_ =	shalt  }
0x78: {  	_ =	shalt  }
0x79: {  	_ =	shalt  }
0x7a: {  	_ =	shalt  }
0x7b: {  	_ =	shalt  }
0x7c: {  	_ =	shalt  }
0x7d: {  	_ =	shalt  }
0x7e: {  	_ =	shalt  }
0x7f: {  	_ =	shalt  }
0x80: {  	_ =	shalt  }
0x81: {  	_ =	shalt  }
0x82: {  	_ =	shalt  }
0x83: {  	_ =	shalt  }
0x84: {  	_ =	shalt  }
0x85: {  	_ =	shalt  }
0x86: {  	_ =	shalt  }
0x87: {  	_ =	shalt  }
.Lfunc_end0:
.L_simem_size_0:
called_computation.1_lowered:
.L_overlay_start_0:
0x88: {  	s2 =	sld [smem:$0x3FD9]  }
0x89: {  	s3 =	sld [smem:$0x3FFE];
	_ =	sdelay $0x1  }
0x8a: {  	s1 =	srdreg.scid  }
0x8b: {  	s0 =	sand.u32 $0x1, s1  }
0x8c: {  	s17 =	sshll.u32 s0, $0xA;
	s2 =	sadd.s32 s3, s2  }
0x8d: {  	s2 =	sadd.s32 s2, s17  }
0x8e: {  	[smem:$0x3FC6] =	sst s2  }
0x8f: {  	_ = 	snop  }
0x90: {  	s2 =	sld [smem:$0x3FD0];
	(tm) =	ssettm $0x1  }
0x91: {  	s18 =	sld [smem:$0x3FFB];
	_ =	sdelay $0x3  }
0x92: {  	_ =	strace s18  }
0x93: {  	s3 =	sld [smem:$0x3FFC];
	_ =	sdelay $0x3  }
0x94: {  	_ =	strace s3  }
0x95: {  	s3 =	sld [smem:$0x3FFD];
	_ =	sdelay $0x3  }
0x96: {  	_ =	strace s3  }
0x97: {  	_ =	strace $0x8FFFFFFF  }
0x98: {  	s19 =	sld [smem:$0x3FDB];
	_ =	sdelay $0x1  }
0x99: {  	s4 =	simm.s32 $_scs_section_size  }
0x9a: {  	s5 =	simm.s32 $_size__tile_overlayer_lowered;
	s6 =	simm.s32 $_tile_overlayer_lowered  }
0x9b: {  	s22 =	simm.s32 $0x1BFF;
	s21 =	sshll.u32 s6, $0x1;
	s3 =	sadd.s32 s4, s19  }
0x9c: {  	s7 =	simm.s32 $0x0;
	s20 =	sshll.u32 s5, $0x1;
	s5 =	sadd.s32 s21, s3  }
0x9d: {  	[timem:s7], [sflag:s22] =	dma.local [hbm:s5], s20  }
0x9e: {  	_ =	swait.ge [sflag:s22], s20  }
0x9f: {  	s4 =	ssub.s32 $0x0, s20;
	[sflag:s22] =	ssyncset.done $0x0  }
0xa0: {  	[sflag:s22] =	ssyncadd.s32 s4;
	_ =	sdelay $0x1  }
0xa1: {  	s23 =	simm.s32 $0x1B8B  }
0xa2: {  	_ =	swait.ge [sflag:s23], $0x1  }
0xa3: {  	[sflag:s23] =	ssyncset.done $0x0  }
0xa4: {  	s25 =	simm.s32 $0x1B8E;
	s24 =	sld [smem:$0x3FFE];
	[sflag:s23] =	ssyncadd.s32 $0xFFFFFFFF  }
0xa5: {  	s26 =	simm.s32 $execute0_lowered;
	[smem:$0x3FD2] =	sst s25  }
0xa6: {  	s5 =	sshll.u32 s26, $0x1;
	_ =	strace $0x80000046;
	[dreg:$0x1] =	wrdreg $0xFFFFFFFF  }
0xa7: {  	s28 =	simm.s32 $_size_execute0_lowered;
	s3 =	sadd.s32 s3, s5;
	[dreg:$0x0] =	wrdreg $0x0  }
0xa8: {  	s5 =	sshll.u32 s28, $0x1;
	[dreg:$0x2] =	wrdreg s3  }
0xa9: {  	[dreg:$0x3] =	wrdreg s5  }
0xaa: {  	[dreg:$0x4] =	wrdreg $0xC0  }
0xab: {  	_ =	task [dreg:s7], $0x5FFFF  }
0xac: {  	[dreg:$0x1] =	wrdreg $0xFFFFFFFF  }
0xad: {  	[dreg:$0x0] =	wrdreg $0x60  }
0xae: {  	[dreg:$0x2] =	wrdreg s24  }
0xaf: {  	[dreg:$0x3] =	wrdreg s2  }
0xb0: {  	[dreg:$0x4] =	wrdreg $0x9  }
0xb1: {  	_ =	task.clear_ibuf [dreg:s7], $0x5FFFF;
	_ =	strace $0x90000046  }
0xb2: {  	s29 =	simm.s32 $0x9;
	_ =	strace $0x80000048  }
0xb3: {  	_ =	swait.ge [sflag:s29], $0x1  }
0xb4: {  	[sflag:s29] =	ssyncadd.s32 $0xFFFFFFFF  }
0xb5: {  	_ =	strace $0x90000048  }
0xb6: {  	_ =	sfence  }
0xb7: {  	s30 =	sld [smem:$0x0];
	_ =	sdelay $0x2  }
0xb8: {  	s31 =	sshll.u32 s1, $0xD;
	s1 =	sshrl.u32 s1, $0x2  }
0xb9: {  	s3 =	sand.u32 $0x4000, s31;
	s1 =	sadd.s32 s1, s30  }
0xba: {  	s0 =	sor.u32 s3, s0;
	s1 =	sshll.u32 s1, $0x11  }
0xbb: {  	s0 =	sor.u32 s1, s0  }
0xbc: {  	s0 =	sadd.s32 $0x8F2B, s0  }
0xbd: {  	[sflag:s0] =	ssyncadd.remote.s32 $0x1  }
0xbe: {  	_ =	sfence.sel $0xFFFF  }
0xbf: {  	[dreg:$0x0] =	wrdreg $0xFFFFFFFF;
	(pc) =	sbr.abs _section_cstart, $3  }
0xc0: {  	[dreg:$0x1] =	wrdreg $0xFFFFFFFF  }
0xc1: {  	_ =	task.clear_ibuf [dreg:s7], $0x2FFFF;
	_ =	strace $0x9FFFFFFF  }
0xc2: {  	(tm) =	ssettm $0x7FFFFFFF  }
0xc3: {  	_ =	shalt  }
tec
execute0_lowered:
.L_overlay_start_1:
0x0: {  	(tag) =	ssettag $0x1  }
0x1: {  	s0 =	rddreg [dreg:$0x0];
	s1 =	srdreg.scid  }
0x2: {  	s3 =	stileid.u32;
	s2 =	rddreg [dreg:$0x1];
	s13 =	simm.s32 $0x3  }
0x3: {  	s14 =	simm.s32 $0x80;
	s15 =	simm.s32 $0x6400;
	s16 =	simm.s32 $0x8400  }
0x4: {  	s17 =	simm.s32 $0x100;
	s18 =	simm.s32 $0xA400;
	s19 =	simm.s32 $0x180  }
0x5: {  	s20 =	simm.s32 $0xC400;
	s21 =	simm.s32 $0x1;
	s22 =	simm.s32 $0xE400  }
0x6: {  	s23 =	simm.s32 $0x2;
	s24 =	simm.s32 $0x10400;
	s25 =	simm.s32 $0x12400  }
0x7: {  	s26 =	simm.s32 $0x14400;
	s1 =	sand.u32 $0x1, s1;
	s4 =	sshll.u32 s3, $0x1  }
0x8: {  	s28 =	simm.s32 $0x0;
	s3 =	simm.s32 $0x0;
	s4 =	sor.u32 s1, s4  }
0x9: {  	s6 =	sadd.s32 $0x19A00, s0;
	s1 =	ssub.s32 $0x2, s1;
	s5 =	smul.u32 $0xC80, s4  }
0xa: {  	[smem:$0x7FF] =	sst s3;
	s8 =	sshrl.u32 s1, $0x1;
	s4 =	smul.u32 $0xC8, s4  }
0xb: {  	_ =	strace $0x80000047;
	s31 =	ssub.s32 s1, s8;
	s7 =	sadd.s32 s5, s0  }
0xc: {  	s5 =	sadd.s32 $0xF42E00, s0;
	s8 =	sor.u32 $0x1, s4;
	s9 =	sor.u32 $0x2, s4  }
0xd: {  	s10 =	sor.u32 $0x3, s4;
	s11 =	smax.u32 s31, $0x1;
	s7 =	sadd.s32 $0xA00, s7  }
.LBB2_1:
0xe: {  	s0 =	simm.s32 $0x16400  }
0xf: {  	[tilespmem:s0], [sflag:$0x3] =	stream.linear.gather [hbm4b:s6+s3], $0x1, $0x38;
	[tilespmem:$0x16410] =	vst v63  }
0x10: {  	_ =	swait.ge [sflag:s13], $0x1  }
0x11: {  	[sflag:s13] =	ssyncset.done $0x0  }
0x12: {  	[sflag:s13] =	ssyncadd.s32 $0xFFFFFFFF  }
0x13: {  	v0 =	vld.msk [tilespmem:$0x16400 ss:$0x0], $0xffff;
	[tilespmem:s3], [sflag:$0x3] =	stream.linear.gather [hbm4b:s7+s3], $0x6400, $0x38  }
0x14: {  	_ =	swait.ge [sflag:s13], $0x6400  }
0x15: {  	[sflag:s13] =	ssyncset.done $0x0  }
0x16: {  	[sflag:s13] =	ssyncadd.s32 $0xFFFF9C00  }
0x17: {  	[tilespmem:s15], [sflag:$0x1] =	stream.indirect.gather [hbm4b:s5+s14], $0x40, s3, s14, $0xb8;
	[tilespmem:$0x16410] =	vst v63  }
0x18: {  	_ = 	snop  }
0x19: {  	[tilespmem:s16], [sflag:$0x1] =	stream.indirect.gather [hbm4b:s5+s14], $0x40, s14, s14, $0xb8;
	[tilespmem:$0x16410] =	vst v63  }
0x1a: {  	_ = 	snop  }
0x1b: {  	[tilespmem:s18], [sflag:$0x1] =	stream.indirect.gather [hbm4b:s5+s14], $0x40, s17, s14, $0xb8;
	[tilespmem:$0x16410] =	vst v63  }
0x1c: {  	s29 =	simm.s32 $0x0  }
0x1d: {  	[tilespmem:s20], [sflag:$0x1] =	stream.indirect.gather [hbm4b:s5+s14], $0x40, s19, s14, $0xb8;
	[tilespmem:$0x16410] =	vst v63  }
.LBB2_2:
0x1e: {  	_ =	swait.ge [sflag:s21], $0x2000  }
0x1f: {  	p0 =	seq.s32 s29, $0x0;
	[sflag:s21] =	ssyncset.done $0x0  }
0x20: {  	s0 =	simm.s32 @!p0 $0x2;
	[sflag:s21] =	ssyncadd.s32 $0xFFFFE000  }
0x21: {  	_ =	swait.ge @!p0 [sflag:s0], $0x2000  }
0x22: {  	[sflag:s0] =	ssyncset.done @!p0 $0x0  }
0x23: {  	s31 =	simm.s32 $0x0;
	[sflag:s0] =	ssyncadd.s32 @!p0 $0xFFFFE000  }
0x24: {  	v1 =	vld [tilespmem:s31+$0x64F0]  }
0x25: {  	v2 =	vld [tilespmem:s31+$0x6400]  }
0x26: {  	v3 =	vld [tilespmem:s31+$0x6410]  }
0x27: {  	v4 =	vld [tilespmem:s31+$0x6420]  }
0x28: {  	v7 =	vld [tilespmem:s31+$0x6450]  }
0x29: {  	v5 =	vld [tilespmem:s31+$0x6430];
	v1 =	vmul.f32 v1, v0  }
0x2a: {  	v6 =	vld [tilespmem:s31+$0x6440];
	v2 =	vmul.f32 v2, v0  }
0x2b: {  	v8 =	vld [tilespmem:s31+$0x6460];
	[tilespmem:s31+$0xE4F0] =	vst v1;
	v1 =	vmul.f32 v3, v0  }
0x2c: {  	v9 =	vld [tilespmem:s31+$0x6470];
	[tilespmem:s31+$0xE400] =	vst v2;
	v2 =	vmul.f32 v4, v0  }
0x2d: {  	v3 =	vmul.f32 v7, v0;
	[tilespmem:s31+$0xE410] =	vst v1  }
0x2e: {  	v10 =	vld [tilespmem:s31+$0x6480];
	v1 =	vmul.f32 v5, v0;
	[tilespmem:s31+$0xE420] =	vst v2  }
0x2f: {  	v5 =	vld [tilespmem:s31+$0x6490];
	v2 =	vmul.f32 v6, v0;
	[tilespmem:s31+$0xE450] =	vst v3  }
0x30: {  	v4 =	vmul.f32 v8, v0;
	[tilespmem:s31+$0xE430] =	vst v1;
	v1 =	vld [tilespmem:s31+$0x64A0]  }
0x31: {  	v6 =	vmul.f32 v9, v0;
	[tilespmem:s31+$0xE440] =	vst v2;
	v2 =	vld [tilespmem:s31+$0x64B0]  }
0x32: {  	v3 =	vld [tilespmem:s31+$0x64C0];
	[tilespmem:s31+$0xE460] =	vst v4  }
0x33: {  	v4 =	vld [tilespmem:s31+$0x64D0];
	[tilespmem:s31+$0xE470] =	vst v6;
	v6 =	vmul.f32 v10, v0  }
0x34: {  	s30 =	sshll.u32 s29, $0x2;
	s1 =	simm.s32 $0x800;
	s0 =	simm.s32 $0x100;
	v7 =	vmul.f32 v5, v0;
	v5 =	vld [tilespmem:s31+$0x64E0]  }
.LBB2_3:
0x35: {  	p1 =	sne.s32 s1, $0x7C00;
	v8 =	vld [tilespmem:s0+$0x64F0];
	[tilespmem:s31+$0xE480] =	vst v6;
	v1 =	vmul.f32 v1, v0  }
0x36: {  	v6 =	vld [tilespmem:s0+$0x6400];
	[tilespmem:s31+$0xE490] =	vst v7;
	v2 =	vmul.f32 v2, v0  }
0x37: {  	v7 =	vld [tilespmem:s0+$0x6410];
	[tilespmem:s31+$0xE4A0] =	vst v1;
	v1 =	vmul.f32 v3, v0  }
0x38: {  	v3 =	vld [tilespmem:s0+$0x6420];
	[tilespmem:s31+$0xE4B0] =	vst v2;
	v2 =	vmul.f32 v4, v0  }
0x39: {  	v4 =	vld [tilespmem:s0+$0x6430];
	[tilespmem:s31+$0xE4C0] =	vst v1;
	v1 =	vmul.f32 v5, v0  }
0x3a: {  	v5 =	vld [tilespmem:s0+$0x6440];
	v8 =	vmul.f32 v8, v0;
	[tilespmem:s31+$0xE4D0] =	vst v2  }
0x3b: {  	v2 =	vmul.f32 v6, v0;
	v6 =	vld [tilespmem:s0+$0x6450];
	[tilespmem:s31+$0xE4E0] =	vst v1;
	s31 =	smov.u32 s0  }
0x3c: {  	v1 =	vmul.f32 v7, v0;
	v7 =	vld [tilespmem:s31+$0x6460];
	[tilespmem:s31+$0xE4F0] =	vst v8  }
0x3d: {  	[tilespmem:s31+$0xE400] =	vst v2;
	v2 =	vmul.f32 v3, v0;
	v3 =	vld [tilespmem:s31+$0x6470]  }
0x3e: {  	[tilespmem:s31+$0xE410] =	vst v1;
	v1 =	vmul.f32 v4, v0;
	v4 =	vld [tilespmem:s31+$0x6480]  }
0x3f: {  	[tilespmem:s31+$0xE420] =	vst v2;
	v2 =	vmul.f32 v5, v0;
	v5 =	vld [tilespmem:s31+$0x6490]  }
.Ltmp0:
0x40: {  	[tilespmem:s31+$0xE430] =	vst v1;
	v6 =	vmul.f32 v6, v0;
	v1 =	vld [tilespmem:s31+$0x64A0];
	(pc) =	sbr.rel @p1 .LBB2_3-.Ltmp0, $4  }
0x41: {  	[tilespmem:s31+$0xE440] =	vst v2;
	v7 =	vmul.f32 v7, v0;
	v2 =	vld [tilespmem:s31+$0x64B0]  }
0x42: {  	[tilespmem:s31+$0xE450] =	vst v6;
	v8 =	vmul.f32 v3, v0;
	v3 =	vld [tilespmem:s31+$0x64C0]  }
0x43: {  	[tilespmem:s31+$0xE460] =	vst v7;
	v6 =	vmul.f32 v4, v0;
	v4 =	vld [tilespmem:s31+$0x64D0]  }
0x44: {  	s0 =	sshra.s32 s1, $0x2;
	s1 =	sadd.s32 $0x400, s1;
	[tilespmem:s31+$0xE470] =	vst v8;
	v7 =	vmul.f32 v5, v0;
	v5 =	vld [tilespmem:s31+$0x64E0]  }
0x45: {  	v8 =	vld [tilespmem:s0+$0x64F0];
	[tilespmem:s31+$0xE480] =	vst v6;
	v1 =	vmul.f32 v1, v0  }
0x46: {  	v6 =	vld [tilespmem:s0+$0x6400];
	[tilespmem:s31+$0xE490] =	vst v7;
	v2 =	vmul.f32 v2, v0  }
0x47: {  	v7 =	vld [tilespmem:s0+$0x6410];
	[tilespmem:s31+$0xE4A0] =	vst v1;
	v3 =	vmul.f32 v3, v0  }
0x48: {  	v1 =	vld [tilespmem:s0+$0x6420];
	[tilespmem:s31+$0xE4B0] =	vst v2;
	v4 =	vmul.f32 v4, v0  }
0x49: {  	v2 =	vld [tilespmem:s0+$0x6430];
	[tilespmem:s31+$0xE4C0] =	vst v3;
	v5 =	vmul.f32 v5, v0  }
0x4a: {  	v3 =	vld [tilespmem:s0+$0x6440];
	[tilespmem:s31+$0xE4D0] =	vst v4;
	v8 =	vmul.f32 v8, v0  }
0x4b: {  	v4 =	vld [tilespmem:s0+$0x6450];
	[tilespmem:s31+$0xE4E0] =	vst v5;
	v57 =	vmul.f32 v6, v0  }
0x4c: {  	v58 =	vld [tilespmem:s0+$0x6460];
	[tilespmem:s0+$0xE4F0] =	vst v8;
	v7 =	vmul.f32 v7, v0  }
0x4d: {  	v59 =	vld [tilespmem:s0+$0x6470];
	[tilespmem:s0+$0xE400] =	vst v57;
	v1 =	vmul.f32 v1, v0  }
0x4e: {  	v60 =	vld [tilespmem:s0+$0x6480];
	[tilespmem:s0+$0xE410] =	vst v7;
	v2 =	vmul.f32 v2, v0  }
0x4f: {  	[tilespmem:s0+$0xE420] =	vst v1;
	v1 =	vld [tilespmem:s0+$0x6490];
	v3 =	vmul.f32 v3, v0  }
0x50: {  	[tilespmem:s0+$0xE430] =	vst v2;
	v2 =	vld [tilespmem:s0+$0x64A0];
	v4 =	vmul.f32 v4, v0  }
0x51: {  	[tilespmem:s0+$0xE440] =	vst v3;
	v3 =	vld [tilespmem:s0+$0x64B0];
	v6 =	vmul.f32 v58, v0  }
0x52: {  	v61 =	vld [tilespmem:s0+$0x64C0];
	v5 =	vmul.f32 v59, v0;
	[tilespmem:s0+$0xE450] =	vst v4  }
0x53: {  	v62 =	vld [tilespmem:s0+$0x64D0];
	v7 =	vmul.f32 v60, v0;
	[tilespmem:s0+$0xE460] =	vst v6  }
0x54: {  	v63 =	vld [tilespmem:s0+$0x64E0];
	[tilespmem:s0+$0xE470] =	vst v5;
	v1 =	vmul.f32 v1, v0  }
0x55: {  	[tilespmem:s0+$0xE480] =	vst v7;
	v2 =	vmul.f32 v2, v0  }
0x56: {  	[tilespmem:s0+$0xE490] =	vst v1;
	v1 =	vmul.f32 v3, v0  }
0x57: {  	p1 =	sne.s32 s29, $0x31;
	[tilespmem:s0+$0xE4A0] =	vst v2;
	v2 =	vmul.f32 v61, v0  }
.Ltmp1:
0x58: {  	[tilespmem:s0+$0xE4B0] =	vst v1;
	v1 =	vmul.f32 v62, v0;
	(pc) =	sbr.rel @p1 .LBB2_6-.Ltmp1, $4  }
0x59: {  	s1 =	sadd.s32 s4, s30;
	[tilespmem:s0+$0xE4C0] =	vst v2;
	v2 =	vmul.f32 v63, v0  }
0x5a: {  	s1 =	sshll.u32 s1, $0xA;
	[tilespmem:s0+$0xE4D0] =	vst v1  }
0x5b: {  	s31 =	sadd.s32 s2, s1;
	[tilespmem:s0+$0xE4E0] =	vst v2  }
0x5c: {  	[hbm4b:s31+s3] =	stream.linear.scatter [tilespmem:s22], [sflag:$0x2], $0x2000, $0x38;
	[tilespmem:$0x16410] =	vst v63  }
.Ltmp2:
0x5d: {  	(pc) =	sbr.rel .LBB2_7-.Ltmp2, $4  }
0x5e: {  	_ = 	snop  }
0x5f: {  	_ =	swait.ge [sflag:s21], $0x2000  }
0x60: {  	[sflag:s21] =	ssyncset.done $0x0  }
0x61: {  	[sflag:s21] =	ssyncadd.s32 $0xFFFFE000  }
.LBB2_6:
0x62: {  	s0 =	sshll.u32 s29, $0x9  }
0x63: {  	s0 =	sand.u32 $0x3FFFFE00, s0  }
.Ltmp3:
0x64: {  	s0 =	sadd.s32 $0x200, s0;
	(pc) =	sbr.rel @p0 .LBB2_8-.Ltmp3, $4  }
0x65: {  	[tilespmem:s15], [sflag:$0x1] =	stream.indirect.gather [hbm4b:s5+s14], $0x40, s0, s14, $0xb8;
	[tilespmem:$0x16410] =	vst v63  }
0x66: {  	_ =	swait.ge [sflag:s21], $0x2000  }
0x67: {  	[sflag:s21] =	ssyncset.done $0x0  }
0x68: {  	[sflag:s21] =	ssyncadd.s32 $0xFFFFE000  }
.LBB2_7:
0x69: {  	_ =	swait.ge [sflag:s23], $0x2000  }
0x6a: {  	[sflag:s23] =	ssyncset.done $0x0  }
0x6b: {  	[sflag:s23] =	ssyncadd.s32 $0xFFFFE000  }
.LBB2_8:
0x6c: {  	s1 =	simm.s32 $0x0  }
0x6d: {  	v1 =	vld [tilespmem:s1+$0x84F0]  }
0x6e: {  	v2 =	vld [tilespmem:s1+$0x8400]  }
0x6f: {  	v3 =	vld [tilespmem:s1+$0x8410]  }
0x70: {  	v4 =	vld [tilespmem:s1+$0x8420]  }
0x71: {  	v7 =	vld [tilespmem:s1+$0x8450]  }
0x72: {  	v5 =	vld [tilespmem:s1+$0x8430];
	v1 =	vmul.f32 v1, v0  }
0x73: {  	v6 =	vld [tilespmem:s1+$0x8440];
	v2 =	vmul.f32 v2, v0  }
0x74: {  	v8 =	vld [tilespmem:s1+$0x8460];
	[tilespmem:s1+$0x104F0] =	vst v1;
	v1 =	vmul.f32 v3, v0  }
0x75: {  	v9 =	vld [tilespmem:s1+$0x8470];
	[tilespmem:s1+$0x10400] =	vst v2;
	v2 =	vmul.f32 v4, v0  }
0x76: {  	v3 =	vmul.f32 v7, v0;
	[tilespmem:s1+$0x10410] =	vst v1  }
0x77: {  	v10 =	vld [tilespmem:s1+$0x8480];
	v1 =	vmul.f32 v5, v0;
	[tilespmem:s1+$0x10420] =	vst v2  }
0x78: {  	v5 =	vld [tilespmem:s1+$0x8490];
	v2 =	vmul.f32 v6, v0;
	[tilespmem:s1+$0x10450] =	vst v3  }
0x79: {  	v4 =	vmul.f32 v8, v0;
	[tilespmem:s1+$0x10430] =	vst v1;
	v1 =	vld [tilespmem:s1+$0x84A0]  }
0x7a: {  	v6 =	vmul.f32 v9, v0;
	[tilespmem:s1+$0x10440] =	vst v2;
	v2 =	vld [tilespmem:s1+$0x84B0]  }
0x7b: {  	v3 =	vld [tilespmem:s1+$0x84C0];
	[tilespmem:s1+$0x10460] =	vst v4  }
0x7c: {  	v4 =	vld [tilespmem:s1+$0x84D0];
	[tilespmem:s1+$0x10470] =	vst v6;
	v6 =	vmul.f32 v10, v0  }
0x7d: {  	s31 =	sadd.s32 $0x1, s29;
	s0 =	simm.s32 $0x100;
	s12 =	simm.s32 $0x800;
	v7 =	vmul.f32 v5, v0;
	v5 =	vld [tilespmem:s1+$0x84E0]  }
.LBB2_9:
0x7e: {  	p2 =	sne.s32 s12, $0x7C00;
	v8 =	vld [tilespmem:s0+$0x84F0];
	[tilespmem:s1+$0x10480] =	vst v6;
	v1 =	vmul.f32 v1, v0  }
0x7f: {  	v6 =	vld [tilespmem:s0+$0x8400];
	[tilespmem:s1+$0x10490] =	vst v7;
	v2 =	vmul.f32 v2, v0  }
0x80: {  	v7 =	vld [tilespmem:s0+$0x8410];
	[tilespmem:s1+$0x104A0] =	vst v1;
	v1 =	vmul.f32 v3, v0  }
0x81: {  	v3 =	vld [tilespmem:s0+$0x8420];
	[tilespmem:s1+$0x104B0] =	vst v2;
	v2 =	vmul.f32 v4, v0  }
0x82: {  	v4 =	vld [tilespmem:s0+$0x8430];
	[tilespmem:s1+$0x104C0] =	vst v1;
	v1 =	vmul.f32 v5, v0  }
0x83: {  	v5 =	vld [tilespmem:s0+$0x8440];
	v8 =	vmul.f32 v8, v0;
	[tilespmem:s1+$0x104D0] =	vst v2  }
0x84: {  	v2 =	vmul.f32 v6, v0;
	v6 =	vld [tilespmem:s0+$0x8450];
	[tilespmem:s1+$0x104E0] =	vst v1;
	s1 =	smov.u32 s0  }
0x85: {  	v1 =	vmul.f32 v7, v0;
	v7 =	vld [tilespmem:s1+$0x8460];
	[tilespmem:s1+$0x104F0] =	vst v8  }
0x86: {  	[tilespmem:s1+$0x10400] =	vst v2;
	v2 =	vmul.f32 v3, v0;
	v3 =	vld [tilespmem:s1+$0x8470]  }
0x87: {  	[tilespmem:s1+$0x10410] =	vst v1;
	v1 =	vmul.f32 v4, v0;
	v4 =	vld [tilespmem:s1+$0x8480]  }
0x88: {  	[tilespmem:s1+$0x10420] =	vst v2;
	v2 =	vmul.f32 v5, v0;
	v5 =	vld [tilespmem:s1+$0x8490]  }
.Ltmp4:
0x89: {  	[tilespmem:s1+$0x10430] =	vst v1;
	v6 =	vmul.f32 v6, v0;
	v1 =	vld [tilespmem:s1+$0x84A0];
	(pc) =	sbr.rel @p2 .LBB2_9-.Ltmp4, $4  }
0x8a: {  	[tilespmem:s1+$0x10440] =	vst v2;
	v7 =	vmul.f32 v7, v0;
	v2 =	vld [tilespmem:s1+$0x84B0]  }
0x8b: {  	[tilespmem:s1+$0x10450] =	vst v6;
	v8 =	vmul.f32 v3, v0;
	v3 =	vld [tilespmem:s1+$0x84C0]  }
0x8c: {  	[tilespmem:s1+$0x10460] =	vst v7;
	v6 =	vmul.f32 v4, v0;
	v4 =	vld [tilespmem:s1+$0x84D0]  }
0x8d: {  	s0 =	sshra.s32 s12, $0x2;
	s12 =	sadd.s32 $0x400, s12;
	[tilespmem:s1+$0x10470] =	vst v8;
	v7 =	vmul.f32 v5, v0;
	v5 =	vld [tilespmem:s1+$0x84E0]  }
0x8e: {  	v8 =	vld [tilespmem:s0+$0x84F0];
	[tilespmem:s1+$0x10480] =	vst v6;
	v1 =	vmul.f32 v1, v0  }
0x8f: {  	v6 =	vld [tilespmem:s0+$0x8400];
	[tilespmem:s1+$0x10490] =	vst v7;
	v2 =	vmul.f32 v2, v0  }
0x90: {  	v7 =	vld [tilespmem:s0+$0x8410];
	[tilespmem:s1+$0x104A0] =	vst v1;
	v3 =	vmul.f32 v3, v0  }
0x91: {  	v1 =	vld [tilespmem:s0+$0x8420];
	[tilespmem:s1+$0x104B0] =	vst v2;
	v4 =	vmul.f32 v4, v0  }
0x92: {  	v2 =	vld [tilespmem:s0+$0x8430];
	[tilespmem:s1+$0x104C0] =	vst v3;
	v5 =	vmul.f32 v5, v0  }
0x93: {  	v3 =	vld [tilespmem:s0+$0x8440];
	[tilespmem:s1+$0x104D0] =	vst v4;
	v8 =	vmul.f32 v8, v0  }
0x94: {  	v4 =	vld [tilespmem:s0+$0x8450];
	[tilespmem:s1+$0x104E0] =	vst v5;
	v57 =	vmul.f32 v6, v0  }
0x95: {  	v58 =	vld [tilespmem:s0+$0x8460];
	[tilespmem:s0+$0x104F0] =	vst v8;
	v7 =	vmul.f32 v7, v0  }
0x96: {  	v59 =	vld [tilespmem:s0+$0x8470];
	[tilespmem:s0+$0x10400] =	vst v57;
	v1 =	vmul.f32 v1, v0  }
0x97: {  	v60 =	vld [tilespmem:s0+$0x8480];
	[tilespmem:s0+$0x10410] =	vst v7;
	v2 =	vmul.f32 v2, v0  }
0x98: {  	[tilespmem:s0+$0x10420] =	vst v1;
	v1 =	vld [tilespmem:s0+$0x8490];
	v3 =	vmul.f32 v3, v0  }
0x99: {  	[tilespmem:s0+$0x10430] =	vst v2;
	v2 =	vld [tilespmem:s0+$0x84A0];
	v4 =	vmul.f32 v4, v0  }
0x9a: {  	[tilespmem:s0+$0x10440] =	vst v3;
	v3 =	vld [tilespmem:s0+$0x84B0];
	v6 =	vmul.f32 v58, v0  }
0x9b: {  	v61 =	vld [tilespmem:s0+$0x84C0];
	v5 =	vmul.f32 v59, v0;
	[tilespmem:s0+$0x10450] =	vst v4  }
0x9c: {  	v62 =	vld [tilespmem:s0+$0x84D0];
	v7 =	vmul.f32 v60, v0;
	[tilespmem:s0+$0x10460] =	vst v6  }
0x9d: {  	v63 =	vld [tilespmem:s0+$0x84E0];
	[tilespmem:s0+$0x10470] =	vst v5;
	v1 =	vmul.f32 v1, v0  }
0x9e: {  	[tilespmem:s0+$0x10480] =	vst v7;
	v2 =	vmul.f32 v2, v0  }
0x9f: {  	[tilespmem:s0+$0x10490] =	vst v1;
	v1 =	vmul.f32 v3, v0  }
0xa0: {  	[tilespmem:s0+$0x104A0] =	vst v2;
	v2 =	vmul.f32 v61, v0  }
.Ltmp5:
0xa1: {  	s12 =	sadd.s32 s30, s8;
	[tilespmem:s0+$0x104B0] =	vst v1;
	v1 =	vmul.f32 v62, v0;
	(pc) =	sbr.rel @p1 .LBB2_12-.Ltmp5, $4  }
0xa2: {  	s1 =	sshll.u32 s12, $0xA;
	[tilespmem:s0+$0x104C0] =	vst v2;
	v2 =	vmul.f32 v63, v0  }
0xa3: {  	s1 =	sand.u32 $0x1FFFF400, s1;
	[tilespmem:s0+$0x104D0] =	vst v1  }
0xa4: {  	s12 =	sadd.s32 s2, s1;
	[tilespmem:s0+$0x104E0] =	vst v2  }
0xa5: {  	[hbm4b:s12+s3] =	stream.linear.scatter [tilespmem:s24], [sflag:$0x2], $0x2000, $0x38;
	[tilespmem:$0x16410] =	vst v63  }
.Ltmp6:
0xa6: {  	(pc) =	sbr.rel .LBB2_13-.Ltmp6, $4  }
0xa7: {  	_ = 	snop  }
0xa8: {  	_ =	swait.ge [sflag:s21], $0x2000  }
0xa9: {  	[sflag:s21] =	ssyncset.done $0x0  }
0xaa: {  	[sflag:s21] =	ssyncadd.s32 $0xFFFFE000  }
.LBB2_12:
0xab: {  	s0 =	sshll.u32 s29, $0x9  }
0xac: {  	s0 =	sand.u32 $0x3FFFFE00, s0  }
.Ltmp7:
0xad: {  	s0 =	sadd.s32 $0x280, s0;
	(pc) =	sbr.rel @p0 .LBB2_14-.Ltmp7, $4  }
0xae: {  	[tilespmem:s16], [sflag:$0x1] =	stream.indirect.gather [hbm4b:s5+s14], $0x40, s0, s14, $0xb8;
	[tilespmem:$0x16410] =	vst v63  }
0xaf: {  	_ =	swait.ge [sflag:s21], $0x2000  }
0xb0: {  	[sflag:s21] =	ssyncset.done $0x0  }
0xb1: {  	[sflag:s21] =	ssyncadd.s32 $0xFFFFE000  }
.LBB2_13:
0xb2: {  	_ =	swait.ge [sflag:s23], $0x2000  }
0xb3: {  	[sflag:s23] =	ssyncset.done $0x0  }
0xb4: {  	[sflag:s23] =	ssyncadd.s32 $0xFFFFE000  }
.LBB2_14:
0xb5: {  	s1 =	simm.s32 $0x0  }
0xb6: {  	v1 =	vld [tilespmem:s1+$0xA4F0]  }
0xb7: {  	v2 =	vld [tilespmem:s1+$0xA400]  }
0xb8: {  	v3 =	vld [tilespmem:s1+$0xA410]  }
0xb9: {  	v4 =	vld [tilespmem:s1+$0xA420]  }
0xba: {  	v7 =	vld [tilespmem:s1+$0xA450]  }
0xbb: {  	v5 =	vld [tilespmem:s1+$0xA430];
	v1 =	vmul.f32 v1, v0  }
0xbc: {  	v6 =	vld [tilespmem:s1+$0xA440];
	v2 =	vmul.f32 v2, v0  }
0xbd: {  	v8 =	vld [tilespmem:s1+$0xA460];
	[tilespmem:s1+$0x124F0] =	vst v1;
	v1 =	vmul.f32 v3, v0  }
0xbe: {  	v9 =	vld [tilespmem:s1+$0xA470];
	[tilespmem:s1+$0x12400] =	vst v2;
	v2 =	vmul.f32 v4, v0  }
0xbf: {  	v3 =	vmul.f32 v7, v0;
	[tilespmem:s1+$0x12410] =	vst v1  }
0xc0: {  	v10 =	vld [tilespmem:s1+$0xA480];
	v1 =	vmul.f32 v5, v0;
	[tilespmem:s1+$0x12420] =	vst v2  }
0xc1: {  	v5 =	vld [tilespmem:s1+$0xA490];
	v2 =	vmul.f32 v6, v0;
	[tilespmem:s1+$0x12450] =	vst v3  }
0xc2: {  	v4 =	vmul.f32 v8, v0;
	[tilespmem:s1+$0x12430] =	vst v1;
	v1 =	vld [tilespmem:s1+$0xA4A0]  }
0xc3: {  	v6 =	vmul.f32 v9, v0;
	[tilespmem:s1+$0x12440] =	vst v2;
	v2 =	vld [tilespmem:s1+$0xA4B0]  }
0xc4: {  	v3 =	vld [tilespmem:s1+$0xA4C0];
	[tilespmem:s1+$0x12460] =	vst v4  }
0xc5: {  	v4 =	vld [tilespmem:s1+$0xA4D0];
	[tilespmem:s1+$0x12470] =	vst v6;
	v6 =	vmul.f32 v10, v0  }
0xc6: {  	s0 =	simm.s32 $0x100;
	s12 =	simm.s32 $0x800;
	v7 =	vmul.f32 v5, v0;
	v5 =	vld [tilespmem:s1+$0xA4E0]  }
.LBB2_15:
0xc7: {  	p2 =	sne.s32 s12, $0x7C00;
	v8 =	vld [tilespmem:s0+$0xA4F0];
	[tilespmem:s1+$0x12480] =	vst v6;
	v1 =	vmul.f32 v1, v0  }
0xc8: {  	v6 =	vld [tilespmem:s0+$0xA400];
	[tilespmem:s1+$0x12490] =	vst v7;
	v2 =	vmul.f32 v2, v0  }
0xc9: {  	v7 =	vld [tilespmem:s0+$0xA410];
	[tilespmem:s1+$0x124A0] =	vst v1;
	v1 =	vmul.f32 v3, v0  }
0xca: {  	v3 =	vld [tilespmem:s0+$0xA420];
	[tilespmem:s1+$0x124B0] =	vst v2;
	v2 =	vmul.f32 v4, v0  }
0xcb: {  	v4 =	vld [tilespmem:s0+$0xA430];
	[tilespmem:s1+$0x124C0] =	vst v1;
	v1 =	vmul.f32 v5, v0  }
0xcc: {  	v5 =	vld [tilespmem:s0+$0xA440];
	v8 =	vmul.f32 v8, v0;
	[tilespmem:s1+$0x124D0] =	vst v2  }
0xcd: {  	v2 =	vmul.f32 v6, v0;
	v6 =	vld [tilespmem:s0+$0xA450];
	[tilespmem:s1+$0x124E0] =	vst v1;
	s1 =	smov.u32 s0  }
0xce: {  	v1 =	vmul.f32 v7, v0;
	v7 =	vld [tilespmem:s1+$0xA460];
	[tilespmem:s1+$0x124F0] =	vst v8  }
0xcf: {  	[tilespmem:s1+$0x12400] =	vst v2;
	v2 =	vmul.f32 v3, v0;
	v3 =	vld [tilespmem:s1+$0xA470]  }
0xd0: {  	[tilespmem:s1+$0x12410] =	vst v1;
	v1 =	vmul.f32 v4, v0;
	v4 =	vld [tilespmem:s1+$0xA480]  }
0xd1: {  	[tilespmem:s1+$0x12420] =	vst v2;
	v2 =	vmul.f32 v5, v0;
	v5 =	vld [tilespmem:s1+$0xA490]  }
.Ltmp8:
0xd2: {  	[tilespmem:s1+$0x12430] =	vst v1;
	v6 =	vmul.f32 v6, v0;
	v1 =	vld [tilespmem:s1+$0xA4A0];
	(pc) =	sbr.rel @p2 .LBB2_15-.Ltmp8, $4  }
0xd3: {  	[tilespmem:s1+$0x12440] =	vst v2;
	v7 =	vmul.f32 v7, v0;
	v2 =	vld [tilespmem:s1+$0xA4B0]  }
0xd4: {  	[tilespmem:s1+$0x12450] =	vst v6;
	v8 =	vmul.f32 v3, v0;
	v3 =	vld [tilespmem:s1+$0xA4C0]  }
0xd5: {  	[tilespmem:s1+$0x12460] =	vst v7;
	v6 =	vmul.f32 v4, v0;
	v4 =	vld [tilespmem:s1+$0xA4D0]  }
0xd6: {  	s0 =	sshra.s32 s12, $0x2;
	s12 =	sadd.s32 $0x400, s12;
	[tilespmem:s1+$0x12470] =	vst v8;
	v7 =	vmul.f32 v5, v0;
	v5 =	vld [tilespmem:s1+$0xA4E0]  }
0xd7: {  	v8 =	vld [tilespmem:s0+$0xA4F0];
	[tilespmem:s1+$0x12480] =	vst v6;
	v1 =	vmul.f32 v1, v0  }
0xd8: {  	v6 =	vld [tilespmem:s0+$0xA400];
	[tilespmem:s1+$0x12490] =	vst v7;
	v2 =	vmul.f32 v2, v0  }
0xd9: {  	v7 =	vld [tilespmem:s0+$0xA410];
	[tilespmem:s1+$0x124A0] =	vst v1;
	v3 =	vmul.f32 v3, v0  }
0xda: {  	v1 =	vld [tilespmem:s0+$0xA420];
	[tilespmem:s1+$0x124B0] =	vst v2;
	v4 =	vmul.f32 v4, v0  }
0xdb: {  	v2 =	vld [tilespmem:s0+$0xA430];
	[tilespmem:s1+$0x124C0] =	vst v3;
	v5 =	vmul.f32 v5, v0  }
0xdc: {  	v3 =	vld [tilespmem:s0+$0xA440];
	[tilespmem:s1+$0x124D0] =	vst v4;
	v8 =	vmul.f32 v8, v0  }
0xdd: {  	v4 =	vld [tilespmem:s0+$0xA450];
	[tilespmem:s1+$0x124E0] =	vst v5;
	v57 =	vmul.f32 v6, v0  }
0xde: {  	v58 =	vld [tilespmem:s0+$0xA460];
	[tilespmem:s0+$0x124F0] =	vst v8;
	v7 =	vmul.f32 v7, v0  }
0xdf: {  	v59 =	vld [tilespmem:s0+$0xA470];
	[tilespmem:s0+$0x12400] =	vst v57;
	v1 =	vmul.f32 v1, v0  }
0xe0: {  	v60 =	vld [tilespmem:s0+$0xA480];
	[tilespmem:s0+$0x12410] =	vst v7;
	v2 =	vmul.f32 v2, v0  }
0xe1: {  	[tilespmem:s0+$0x12420] =	vst v1;
	v1 =	vld [tilespmem:s0+$0xA490];
	v3 =	vmul.f32 v3, v0  }
0xe2: {  	[tilespmem:s0+$0x12430] =	vst v2;
	v2 =	vld [tilespmem:s0+$0xA4A0];
	v4 =	vmul.f32 v4, v0  }
0xe3: {  	[tilespmem:s0+$0x12440] =	vst v3;
	v3 =	vld [tilespmem:s0+$0xA4B0];
	v6 =	vmul.f32 v58, v0  }
0xe4: {  	v61 =	vld [tilespmem:s0+$0xA4C0];
	v5 =	vmul.f32 v59, v0;
	[tilespmem:s0+$0x12450] =	vst v4  }
0xe5: {  	v62 =	vld [tilespmem:s0+$0xA4D0];
	v7 =	vmul.f32 v60, v0;
	[tilespmem:s0+$0x12460] =	vst v6  }
0xe6: {  	v63 =	vld [tilespmem:s0+$0xA4E0];
	[tilespmem:s0+$0x12470] =	vst v5;
	v1 =	vmul.f32 v1, v0  }
0xe7: {  	[tilespmem:s0+$0x12480] =	vst v7;
	v2 =	vmul.f32 v2, v0  }
0xe8: {  	[tilespmem:s0+$0x12490] =	vst v1;
	v1 =	vmul.f32 v3, v0  }
0xe9: {  	[tilespmem:s0+$0x124A0] =	vst v2;
	v2 =	vmul.f32 v61, v0  }
.Ltmp9:
0xea: {  	s12 =	sadd.s32 s30, s9;
	[tilespmem:s0+$0x124B0] =	vst v1;
	v1 =	vmul.f32 v62, v0;
	(pc) =	sbr.rel @p1 .LBB2_18-.Ltmp9, $4  }
0xeb: {  	s1 =	sshll.u32 s12, $0xA;
	[tilespmem:s0+$0x124C0] =	vst v2;
	v2 =	vmul.f32 v63, v0  }
0xec: {  	s1 =	sand.u32 $0x1FFFF800, s1;
	[tilespmem:s0+$0x124D0] =	vst v1  }
0xed: {  	s12 =	sadd.s32 s2, s1;
	[tilespmem:s0+$0x124E0] =	vst v2  }
0xee: {  	[hbm4b:s12+s3] =	stream.linear.scatter [tilespmem:s25], [sflag:$0x2], $0x2000, $0x38;
	[tilespmem:$0x16410] =	vst v63  }
.Ltmp10:
0xef: {  	(pc) =	sbr.rel .LBB2_19-.Ltmp10, $4  }
0xf0: {  	_ = 	snop  }
0xf1: {  	_ =	swait.ge [sflag:s21], $0x2000  }
0xf2: {  	[sflag:s21] =	ssyncset.done $0x0  }
0xf3: {  	[sflag:s21] =	ssyncadd.s32 $0xFFFFE000  }
.LBB2_18:
0xf4: {  	s0 =	sshll.u32 s29, $0x9  }
0xf5: {  	s0 =	sand.u32 $0x3FFFFE00, s0  }
.Ltmp11:
0xf6: {  	s0 =	sadd.s32 $0x300, s0;
	(pc) =	sbr.rel @p0 .LBB2_20-.Ltmp11, $4  }
0xf7: {  	[tilespmem:s18], [sflag:$0x1] =	stream.indirect.gather [hbm4b:s5+s14], $0x40, s0, s14, $0xb8;
	[tilespmem:$0x16410] =	vst v63  }
0xf8: {  	_ =	swait.ge [sflag:s21], $0x2000  }
0xf9: {  	[sflag:s21] =	ssyncset.done $0x0  }
0xfa: {  	[sflag:s21] =	ssyncadd.s32 $0xFFFFE000  }
.LBB2_19:
0xfb: {  	_ =	swait.ge [sflag:s23], $0x2000  }
0xfc: {  	[sflag:s23] =	ssyncset.done $0x0  }
0xfd: {  	[sflag:s23] =	ssyncadd.s32 $0xFFFFE000  }
.LBB2_20:
0xfe: {  	s1 =	simm.s32 $0x0  }
0xff: {  	v1 =	vld [tilespmem:s1+$0xC4F0]  }
0x100: {  	v2 =	vld [tilespmem:s1+$0xC400]  }
0x101: {  	v3 =	vld [tilespmem:s1+$0xC410]  }
0x102: {  	v4 =	vld [tilespmem:s1+$0xC420]  }
0x103: {  	v7 =	vld [tilespmem:s1+$0xC450]  }
0x104: {  	v5 =	vld [tilespmem:s1+$0xC430];
	v1 =	vmul.f32 v1, v0  }
0x105: {  	v6 =	vld [tilespmem:s1+$0xC440];
	v2 =	vmul.f32 v2, v0  }
0x106: {  	v8 =	vld [tilespmem:s1+$0xC460];
	[tilespmem:s1+$0x144F0] =	vst v1;
	v1 =	vmul.f32 v3, v0  }
0x107: {  	v9 =	vld [tilespmem:s1+$0xC470];
	[tilespmem:s1+$0x14400] =	vst v2;
	v2 =	vmul.f32 v4, v0  }
0x108: {  	v3 =	vmul.f32 v7, v0;
	[tilespmem:s1+$0x14410] =	vst v1  }
0x109: {  	v10 =	vld [tilespmem:s1+$0xC480];
	v1 =	vmul.f32 v5, v0;
	[tilespmem:s1+$0x14420] =	vst v2  }
0x10a: {  	v5 =	vld [tilespmem:s1+$0xC490];
	v2 =	vmul.f32 v6, v0;
	[tilespmem:s1+$0x14450] =	vst v3  }
0x10b: {  	v4 =	vmul.f32 v8, v0;
	[tilespmem:s1+$0x14430] =	vst v1;
	v1 =	vld [tilespmem:s1+$0xC4A0]  }
0x10c: {  	v6 =	vmul.f32 v9, v0;
	[tilespmem:s1+$0x14440] =	vst v2;
	v2 =	vld [tilespmem:s1+$0xC4B0]  }
0x10d: {  	v3 =	vld [tilespmem:s1+$0xC4C0];
	[tilespmem:s1+$0x14460] =	vst v4  }
0x10e: {  	v4 =	vld [tilespmem:s1+$0xC4D0];
	[tilespmem:s1+$0x14470] =	vst v6;
	v6 =	vmul.f32 v10, v0  }
0x10f: {  	s0 =	simm.s32 $0x100;
	s12 =	simm.s32 $0x800;
	v7 =	vmul.f32 v5, v0;
	v5 =	vld [tilespmem:s1+$0xC4E0]  }
.LBB2_21:
0x110: {  	p0 =	sne.s32 s12, $0x7C00;
	v8 =	vld [tilespmem:s0+$0xC4F0];
	[tilespmem:s1+$0x14480] =	vst v6;
	v1 =	vmul.f32 v1, v0  }
0x111: {  	v6 =	vld [tilespmem:s0+$0xC400];
	[tilespmem:s1+$0x14490] =	vst v7;
	v2 =	vmul.f32 v2, v0  }
0x112: {  	v7 =	vld [tilespmem:s0+$0xC410];
	[tilespmem:s1+$0x144A0] =	vst v1;
	v1 =	vmul.f32 v3, v0  }
0x113: {  	v3 =	vld [tilespmem:s0+$0xC420];
	[tilespmem:s1+$0x144B0] =	vst v2;
	v2 =	vmul.f32 v4, v0  }
0x114: {  	v4 =	vld [tilespmem:s0+$0xC430];
	[tilespmem:s1+$0x144C0] =	vst v1;
	v1 =	vmul.f32 v5, v0  }
0x115: {  	v5 =	vld [tilespmem:s0+$0xC440];
	v8 =	vmul.f32 v8, v0;
	[tilespmem:s1+$0x144D0] =	vst v2  }
0x116: {  	v2 =	vmul.f32 v6, v0;
	v6 =	vld [tilespmem:s0+$0xC450];
	[tilespmem:s1+$0x144E0] =	vst v1;
	s1 =	smov.u32 s0  }
0x117: {  	v1 =	vmul.f32 v7, v0;
	v7 =	vld [tilespmem:s1+$0xC460];
	[tilespmem:s1+$0x144F0] =	vst v8  }
0x118: {  	[tilespmem:s1+$0x14400] =	vst v2;
	v2 =	vmul.f32 v3, v0;
	v3 =	vld [tilespmem:s1+$0xC470]  }
0x119: {  	[tilespmem:s1+$0x14410] =	vst v1;
	v1 =	vmul.f32 v4, v0;
	v4 =	vld [tilespmem:s1+$0xC480]  }
0x11a: {  	[tilespmem:s1+$0x14420] =	vst v2;
	v2 =	vmul.f32 v5, v0;
	v5 =	vld [tilespmem:s1+$0xC490]  }
.Ltmp12:
0x11b: {  	[tilespmem:s1+$0x14430] =	vst v1;
	v6 =	vmul.f32 v6, v0;
	v1 =	vld [tilespmem:s1+$0xC4A0];
	(pc) =	sbr.rel @p0 .LBB2_21-.Ltmp12, $4  }
0x11c: {  	[tilespmem:s1+$0x14440] =	vst v2;
	v7 =	vmul.f32 v7, v0;
	v2 =	vld [tilespmem:s1+$0xC4B0]  }
0x11d: {  	[tilespmem:s1+$0x14450] =	vst v6;
	v8 =	vmul.f32 v3, v0;
	v3 =	vld [tilespmem:s1+$0xC4C0]  }
0x11e: {  	[tilespmem:s1+$0x14460] =	vst v7;
	v6 =	vmul.f32 v4, v0;
	v4 =	vld [tilespmem:s1+$0xC4D0]  }
0x11f: {  	s0 =	sshra.s32 s12, $0x2;
	s12 =	sadd.s32 $0x400, s12;
	[tilespmem:s1+$0x14470] =	vst v8;
	v7 =	vmul.f32 v5, v0;
	v5 =	vld [tilespmem:s1+$0xC4E0]  }
0x120: {  	v8 =	vld [tilespmem:s0+$0xC4F0];
	[tilespmem:s1+$0x14480] =	vst v6;
	v1 =	vmul.f32 v1, v0  }
0x121: {  	v6 =	vld [tilespmem:s0+$0xC400];
	[tilespmem:s1+$0x14490] =	vst v7;
	v2 =	vmul.f32 v2, v0  }
0x122: {  	v7 =	vld [tilespmem:s0+$0xC410];
	[tilespmem:s1+$0x144A0] =	vst v1;
	v3 =	vmul.f32 v3, v0  }
0x123: {  	v1 =	vld [tilespmem:s0+$0xC420];
	[tilespmem:s1+$0x144B0] =	vst v2;
	v4 =	vmul.f32 v4, v0  }
0x124: {  	v2 =	vld [tilespmem:s0+$0xC430];
	[tilespmem:s1+$0x144C0] =	vst v3;
	v5 =	vmul.f32 v5, v0  }
0x125: {  	v3 =	vld [tilespmem:s0+$0xC440];
	[tilespmem:s1+$0x144D0] =	vst v4;
	v8 =	vmul.f32 v8, v0  }
0x126: {  	v4 =	vld [tilespmem:s0+$0xC450];
	[tilespmem:s1+$0x144E0] =	vst v5;
	v57 =	vmul.f32 v6, v0  }
0x127: {  	v58 =	vld [tilespmem:s0+$0xC460];
	[tilespmem:s0+$0x144F0] =	vst v8;
	v7 =	vmul.f32 v7, v0  }
0x128: {  	v59 =	vld [tilespmem:s0+$0xC470];
	[tilespmem:s0+$0x14400] =	vst v57;
	v1 =	vmul.f32 v1, v0  }
0x129: {  	v60 =	vld [tilespmem:s0+$0xC480];
	[tilespmem:s0+$0x14410] =	vst v7;
	v2 =	vmul.f32 v2, v0  }
0x12a: {  	[tilespmem:s0+$0x14420] =	vst v1;
	v1 =	vld [tilespmem:s0+$0xC490];
	v3 =	vmul.f32 v3, v0  }
0x12b: {  	[tilespmem:s0+$0x14430] =	vst v2;
	v2 =	vld [tilespmem:s0+$0xC4A0];
	v4 =	vmul.f32 v4, v0  }
0x12c: {  	[tilespmem:s0+$0x14440] =	vst v3;
	v3 =	vld [tilespmem:s0+$0xC4B0];
	v6 =	vmul.f32 v58, v0  }
0x12d: {  	v61 =	vld [tilespmem:s0+$0xC4C0];
	v5 =	vmul.f32 v59, v0;
	[tilespmem:s0+$0x14450] =	vst v4  }
0x12e: {  	v62 =	vld [tilespmem:s0+$0xC4D0];
	v7 =	vmul.f32 v60, v0;
	[tilespmem:s0+$0x14460] =	vst v6  }
0x12f: {  	v63 =	vld [tilespmem:s0+$0xC4E0];
	[tilespmem:s0+$0x14470] =	vst v5;
	v1 =	vmul.f32 v1, v0  }
0x130: {  	[tilespmem:s0+$0x14480] =	vst v7;
	v2 =	vmul.f32 v2, v0  }
0x131: {  	[tilespmem:s0+$0x14490] =	vst v1;
	v1 =	vmul.f32 v3, v0  }
0x132: {  	[tilespmem:s0+$0x144A0] =	vst v2;
	v2 =	vmul.f32 v61, v0  }
0x133: {  	s12 =	sadd.s32 s30, s10;
	[tilespmem:s0+$0x144B0] =	vst v1;
	v1 =	vmul.f32 v62, v0  }
0x134: {  	s1 =	sshll.u32 s12, $0xA;
	[tilespmem:s0+$0x144C0] =	vst v2;
	v2 =	vmul.f32 v63, v0  }
0x135: {  	p0 =	seq.s32 s29, $0x31;
	s1 =	sand.u32 $0x1FFFFC00, s1;
	[tilespmem:s0+$0x144D0] =	vst v1  }
0x136: {  	s30 =	sadd.s32 s2, s1;
	[tilespmem:s0+$0x144E0] =	vst v2;
	s0 =	sshll.u32 @!p0 s29, $0x9  }
0x137: {  	[hbm4b:s30+s3] =	stream.linear.scatter [tilespmem:s26], [sflag:$0x2], $0x2000, $0x38;
	[tilespmem:$0x16410] =	vst v63  }
0x138: {  	p1 =	sne.s32 @!p0 s31, $0x32;
	s0 =	sand.u32 @!p0 $0x3FFFFE00, s0  }
0x139: {  	s12 =	simm.s32 @!p0 $0xC400;
	s1 =	simm.s32 @!p0 $0x80;
	s0 =	sadd.s32 @!p0 $0x380, s0  }
0x13a: {  	[tilespmem:s12], [sflag:$0x1] =	stream.indirect.gather @!p0 [hbm4b:s5+s1], $0x40, s0, s1, $0xb8;
	[tilespmem:$0x16410] =	vst v63  }
0x13b: {  	p0 =	por p0, !p1  }
.Ltmp13:
0x13c: {  	_ = 	snop;
	(pc) =	sbr.rel @!p0 .LBB2_2-.Ltmp13, $2  }
0x13d: {  	_ =	sdelay $0x2  }
0x13e: {  	s29 =	smov.u32 s31  }
0x13f: {  	_ =	swait.ge [sflag:s23], $0x2000  }
0x140: {  	[sflag:s23] =	ssyncset.done $0x0  }
0x141: {  	[sflag:s23] =	ssyncadd.s32 $0xFFFFE000  }
0x142: {  	_ =	swait.ge [sflag:s23], $0x2000  }
0x143: {  	[sflag:s23] =	ssyncset.done $0x0  }
0x144: {  	s28 =	sadd.s32 $0x1, s28;
	[sflag:s23] =	ssyncadd.s32 $0xFFFFE000  }
0x145: {  	p0 =	sne.s32 s28, s11;
	_ =	swait.ge [sflag:s23], $0x2000  }
.Ltmp14:
0x146: {  	[sflag:s23] =	ssyncset.done $0x0;
	(pc) =	sbr.rel @p0 .LBB2_1-.Ltmp14, $4  }
0x147: {  	[sflag:s23] =	ssyncadd.s32 $0xFFFFE000  }
0x148: {  	_ =	swait.ge [sflag:s23], $0x2000  }
0x149: {  	[sflag:s23] =	ssyncset.done $0x0  }
0x14a: {  	[sflag:s23] =	ssyncadd.s32 $0xFFFFE000  }
0x14b: {  	_ =	sfence.sel $0x180000  }
0x14c: {  	[bflag:$0x0] =	sbarrier.arrive $0xFFFF  }
0x14d: {  	_ =	strace $0x90000047  }
0x14e: {  	s0 =	stileid.u32;
	[bflag:$0x2] =	sbarrier.arrive $0xFFFF  }
0x14f: {  	p0 =	sne.s32 s0, $0x0;
	s0 =	rddreg [dreg:$0x2]  }
0x150: {  	s0 =	sadd.s32 @!p0 $0x100000, s0  }
0x151: {  	[sflag:s0] =	ssyncadd.tile.s32 @!p0 $0x1;
	_ =	shalt  }
.Lfunc_end2:
_tile_overlayer_lowered:
.L_overlay_start_2:
0x152: {  	(tag) =	ssettag $0x2  }
0x153: {  	s0 =	rddreg [dreg:$0x0];
	s2 =	stileid.u32  }
0x154: {  	s1 =	rddreg [dreg:$0x1];
	p0 =	sne.s32 s2, $0x0  }
0x155: {  	s3 =	rddreg [dreg:$0x2];
	[bflag:$0x3] =	sbarrier.arrive $0xFFFF;
	s2 =	simm.s32 @!p0 $0x1C03  }
0x156: {  	[timem:s3], [sflag:s2] =	dma.local @!p0 [hbm:s0], s1  }
0x157: {  	s0 =	simm.s32 @!p0 $0x3  }
0x158: {  	_ =	swait.ge @!p0 [sflag:s0], s1  }
0x159: {  	s1 =	ssub.s32 @!p0 $0x0, s1;
	[sflag:s0] =	ssyncset.done @!p0 $0x0  }
0x15a: {  	[sflag:s0] =	ssyncadd.s32 @!p0 s1  }
0x15b: {  	[bflag:$0x3] =	sbarrier.arrive $0xFFFF  }
0x15c: {  	_ =	shalt  }

// kernel: sparse-core-data-format-call.cloned.1.call-start
scs
called_computation_lowered:
.L_overlay_start_0:
0x0: {  	s2 =	sld [smem:$0x3FD9]  }
0x1: {  	s3 =	sld [smem:$0x3FFE];
	_ =	sdelay $0x1  }
0x2: {  	s1 =	srdreg.scid  }
0x3: {  	s0 =	sand.u32 $0x1, s1  }
0x4: {  	s18 =	sshll.u32 s0, $0xA;
	s2 =	sadd.s32 s3, s2  }
0x5: {  	s2 =	sadd.s32 s2, s18  }
0x6: {  	[smem:$0x3FC6] =	sst s2  }
0x7: {  	_ = 	snop  }
0x8: {  	s2 =	sld [smem:$0x3FD0];
	(tm) =	ssettm $0x1  }
0x9: {  	s19 =	sld [smem:$0x3FFB];
	_ =	sdelay $0x3  }
0xa: {  	_ =	strace s19  }
0xb: {  	s3 =	sld [smem:$0x3FFC];
	_ =	sdelay $0x3  }
0xc: {  	_ =	strace s3  }
0xd: {  	s3 =	sld [smem:$0x3FFD];
	_ =	sdelay $0x3  }
0xe: {  	_ =	strace s3  }
0xf: {  	_ =	strace $0x8FFFFFFF  }
0x10: {  	s20 =	sld [smem:$0x3FDB];
	_ =	sdelay $0x1  }
0x11: {  	s4 =	simm.s32 $_scs_section_size  }
0x12: {  	s5 =	simm.s32 $_size__tile_overlayer_lowered;
	s6 =	simm.s32 $_tile_overlayer_lowered  }
0x13: {  	s23 =	simm.s32 $0x1BFF;
	s22 =	sshll.u32 s6, $0x1;
	s3 =	sadd.s32 s4, s20  }
0x14: {  	s7 =	simm.s32 $0x0;
	s21 =	sshll.u32 s5, $0x1;
	s5 =	sadd.s32 s22, s3  }
0x15: {  	[timem:s7], [sflag:s23] =	dma.local [hbm:s5], s21  }
0x16: {  	_ =	swait.ge [sflag:s23], s21  }
0x17: {  	s4 =	ssub.s32 $0x0, s21;
	[sflag:s23] =	ssyncset.done $0x0  }
0x18: {  	[sflag:s23] =	ssyncadd.s32 s4;
	_ =	sdelay $0x1  }
0x19: {  	s24 =	simm.s32 $0x1B8B  }
0x1a: {  	_ =	swait.ge [sflag:s24], $0x1  }
0x1b: {  	[sflag:s24] =	ssyncset.done $0x0  }
0x1c: {  	s26 =	simm.s32 $0x1B8E;
	s25 =	sld [smem:$0x3FFE];
	[sflag:s24] =	ssyncadd.s32 $0xFFFFFFFF  }
0x1d: {  	s27 =	simm.s32 $execute0_lowered;
	[smem:$0x3FD2] =	sst s26  }
0x1e: {  	s5 =	sshll.u32 s27, $0x1;
	_ =	strace $0x80000049;
	[dreg:$0x1] =	wrdreg $0xFFFFFFFF  }
0x1f: {  	s28 =	simm.s32 $_size_execute0_lowered;
	s3 =	sadd.s32 s3, s5;
	[dreg:$0x0] =	wrdreg $0x0  }
0x20: {  	s5 =	sshll.u32 s28, $0x1;
	[dreg:$0x2] =	wrdreg s3  }
0x21: {  	[dreg:$0x3] =	wrdreg s5  }
0x22: {  	[dreg:$0x4] =	wrdreg $0xC0  }
0x23: {  	_ =	task [dreg:s7], $0x5FFFF  }
0x24: {  	[dreg:$0x1] =	wrdreg $0xFFFFFFFF  }
0x25: {  	[dreg:$0x0] =	wrdreg $0x60  }
0x26: {  	[dreg:$0x2] =	wrdreg s25  }
0x27: {  	[dreg:$0x3] =	wrdreg s2  }
0x28: {  	[dreg:$0x4] =	wrdreg $0x9  }
0x29: {  	_ =	task.clear_ibuf [dreg:s7], $0x5FFFF;
	_ =	strace $0x90000049  }
0x2a: {  	s29 =	simm.s32 $0x9;
	_ =	strace $0x8000004B  }
0x2b: {  	_ =	swait.ge [sflag:s29], $0x1  }
0x2c: {  	[sflag:s29] =	ssyncadd.s32 $0xFFFFFFFF  }
0x2d: {  	_ =	strace $0x9000004B  }
0x2e: {  	_ =	sfence  }
0x2f: {  	s30 =	sld [smem:$0x0];
	_ =	sdelay $0x2  }
0x30: {  	s31 =	sshll.u32 s1, $0xD;
	s1 =	sshrl.u32 s1, $0x2  }
0x31: {  	s3 =	sand.u32 $0x4000, s31;
	s1 =	sadd.s32 s1, s30  }
0x32: {  	s0 =	sor.u32 s3, s0;
	s1 =	sshll.u32 s1, $0x11  }
0x33: {  	s0 =	sor.u32 s1, s0  }
0x34: {  	s0 =	sadd.s32 $0x8F2B, s0  }
0x35: {  	[sflag:s0] =	ssyncadd.remote.s32 $0x1  }
0x36: {  	_ =	sfence.sel $0xFFFF  }
0x37: {  	[dreg:$0x0] =	wrdreg $0xFFFFFFFF;
	(pc) =	sbr.abs _section_cstart, $3  }
0x38: {  	[dreg:$0x1] =	wrdreg $0xFFFFFFFF  }
0x39: {  	_ =	task.clear_ibuf [dreg:s7], $0x2FFFF;
	_ =	strace $0x9FFFFFFF  }
0x3a: {  	(tm) =	ssettm $0x7FFFFFFF  }
0x3b: {  	_ =	shalt  }
tec
execute0_lowered:
.L_overlay_start_1:
0x0: {  	(tag) =	ssettag $0x1  }
0x1: {  	s0 =	srdreg.scid  }
0x2: {  	s1 =	sshll.u32 s0, $0x4  }
0x3: {  	s0 =	stileid.u32;
	s1 =	sand.u32 $0x10, s1  }
0x4: {  	s1 =	sor.u32 s0, s1  }
0x5: {  	s6 =	rddreg [dreg:$0x0];
	s4 =	simm.s32 $0x1;
	s2 =	sshll.u32 s1, $0x7  }
0x6: {  	s7 =	simm.s32 $0x2;
	s12 =	simm.s32 $0x0;
	s1 =	ssub.s32 $0x1000, s2  }
0x7: {  	s8 =	simm.s32 $0x8000;
	s13 =	simm.s32 $0x0;
	s3 =	sand.u32 $0xF80, s1  }
0x8: {  	s9 =	simm.s32 $0x0;
	s5 =	sshrl.u32 s1, $0xC;
	p0 =	sne.s32 s3, $0x0  }
.Ltmp0:
0x9: {  	s1 =	rddreg [dreg:$0x2];
	s4 =	simm.s32 @!p0 $0x0;
	(pc) =	sbr.rel .LBB1_1-.Ltmp0, $4  }
0xa: {  	s11 =	simm.s32 $0x0;
	s3 =	rddreg [dreg:$0x1];
	s5 =	sadd.s32 s4, s5  }
0xb: {  	_ =	strace $0x8000004A;
	s4 =	simm.s32 $0x1;
	s5 =	smul.u32 $0xC8, s5  }
0xc: {  	s6 =	sadd.s32 $0xA00, s6;
	s10 =	smov.u32 s2;
	[sflag:s4] =	ssyncpa.u1 $0x0  }
0xd: {  	p0 =	por $0x0, $0x0;
	[sflag:s7] =	ssyncpa.u1 $0x0;
	s7 =	sor.u32 $0x1, s5  }
.LBB1_4:
0xe: {  	s16 =	sshll.u32 s13, $0x3;
	s17 =	sand.u32 $0x78, s13  }
0xf: {  	s30 =	sand.u32 $0x7E00, s13;
	s12 =	sshll.u32 s12, $0xF;
	s16 =	sand.u32 $0xC00, s16  }
0x10: {  	[tilespmem:s15+$0x810 ss:$0x81] =	vst.msk $0xffff, v2;
	s31 =	sand.u32 $0x7, s13;
	s16 =	sor.u32 s17, s16;
	s17 =	sadd.s32 s3, s30  }
0x11: {  	[tilespmem:s15+$0x1020 ss:$0x81] =	vst.msk $0xffff, v0;
	s13 =	sshll.u32 s31, $0x12;
	s12 =	sadd.s32 s12, s17;
	s16 =	sshrl.u32 s16, $0x3  }
0x12: {  	[tilespmem:s15+$0x0 ss:$0x81] =	vst.msk $0xffff, v1;
	s13 =	sor.u32 $0x400, s13;
	s12 =	sadd.s32 s16, s12  }
0x13: {  	[hbm4b:s12+s13] =	stream.strided.scatter [tilespmem:s14], [sflag:$0x2], $0x2000, s8, s13, $0x20;
	[tilespmem:$0x8080] =	vst v63  }
.LBB1_5:
0x14: {  	s14 =	sadd.s32 $0x1, s9  }
0x15: {  	s12 =	sadd.s32 $0x1000, s10;
	s16 =	smov.u32 s10;
	p2 =	sgt.s32 s14, $0xC7  }
0x16: {  	s16 =	smov.u32 @p2 s12  }
0x17: {  	s14 =	simm.s32 @p2 $0x0;
	p2 =	sgt.s32 s16, $0xFFF  }
0x18: {  	s16 =	smov.u32 @p2 s2;
	p2 =	sne.s32 s11, s7  }
.Ltmp1:
0x19: {  	p1 =	slt.u32 s11, $0x2;
	(pc) =	sbr.rel @!p2 .LBB1_6-.Ltmp1, $4  }
0x1a: {  	s15 =	simm.s32 @!p1 $0x2  }
0x1b: {  	s13 =	smov.u32 s10;
	p0 =	por !p0, !p0;
	_ =	swait.ge @!p1 [sflag:s15], $0x2000  }
0x1c: {  	s12 =	smov.u32 s9;
	[sflag:s15] =	ssyncset.done @!p1 $0x0;
	s9 =	smov.u32 s14  }
0x1d: {  	s11 =	sadd.s32 $0x1, s11;
	[sflag:s15] =	ssyncadd.s32 @!p1 $0xFFFFE000;
	s10 =	smov.u32 s16  }
.LBB1_1:
0x1e: {  	p1 =	sge.u32 s11, s5  }
0x1f: {  	s14 =	sand.u32 @!p1 $0x1FFFFFF, s9  }
0x20: {  	s15 =	smulhi.u32 @!p1 $0x147AE15, s14;
	_ =	sdelay $0x1  }
0x21: {  	s15 =	smul.u32 @!p1 $0xC8, s15  }
0x22: {  	s16 =	sxor.u32 @!p1 $0xFFFFFFFF, s11;
	s17 =	smul.u32 @!p1 $0xC80, s10  }
0x23: {  	s31 =	sadd.s32 $0xFFFFFFFF, s11;
	s16 =	sshll.u32 @!p1 s16, $0xD;
	s14 =	ssub.s32 @!p1 s14, s15  }
0x24: {  	s15 =	sand.u32 @!p1 $0x2000, s16;
	s16 =	sadd.s32 @!p1 s6, s17;
	s14 =	sshll.u32 @!p1 s14, $0x4  }
0x25: {  	s17 =	simm.s32 @!p1 $0x6400;
	s14 =	sadd.s32 @!p1 s14, s16;
	s16 =	simm.s32 @!p1 $0x40  }
0x26: {  	[tilespmem:s15], [sflag:$0x1] =	stream.strided.gather @!p1 [hbm4b:s14+s16], $0x2000, s17, s16, $0x38;
	[tilespmem:$0x8080] =	vst v63  }
0x27: {  	p1 =	sge.u32 s31, s5  }
.Ltmp2:
0x28: {  	_ = 	snop;
	(pc) =	sbr.rel @p1 .LBB1_5-.Ltmp2, $1  }
0x29: {  	_ =	sdelay $0x3  }
0x2a: {  	s14 =	simm.s32 $0x1  }
0x2b: {  	_ =	swait.ge [sflag:s4], $0x2000;
	s14 =	simm.s32 @!p0 $0x0  }
0x2c: {  	[sflag:s4] =	ssyncset.done $0x0;
	s15 =	sshll.u32 s14, $0xD  }
0x2d: {  	[sflag:s4] =	ssyncadd.s32 $0xFFFFE000;
	s18 =	sor.u32 $0x20, s15  }
0x2e: {  	s14 =	smul.u32 $0x8100, s14;
	v3 =	vld [tilespmem:s18+$0x10]  }
0x2f: {  	s30 =	sand.u32 $0x1, s11;
	v2 =	vld [tilespmem:s18+$0xFFFFFFF0]  }
0x30: {  	s15 =	smul.u32 $0x8100, s30;
	s14 =	sshrl.u32 s14, $0x2;
	v0 =	vld [tilespmem:s18+$0x0]  }
0x31: {  	v1 =	vld [tilespmem:s18+$0xFFFFFFE0];
	s16 =	sor.u32 $0x4000, s14  }
0x32: {  	s31 =	sshrl.u32 s15, $0x2;
	s15 =	sadd.s32 $0x0, s16  }
0x33: {  	s17 =	simm.s32 $0x4;
	s18 =	sadd.s32 $0x40, s18;
	s14 =	sor.u32 $0x4000, s31;
	[tilespmem:s15+$0x1830 ss:$0x81] =	vst.msk $0xffff, v3  }
.LBB1_3:
0x34: {  	v3 =	vld [tilespmem:s18+$0x10];
	p1 =	sne.s32 s17, $0x1FC;
	[tilespmem:s15+$0x810 ss:$0x81] =	vst.msk $0xffff, v2;
	s19 =	smov.u32 s17;
	s17 =	sadd.s32 $0x4, s17  }
.Ltmp3:
0x35: {  	v2 =	vld [tilespmem:s18+$0xFFFFFFF0];
	[tilespmem:s15+$0x1020 ss:$0x81] =	vst.msk $0xffff, v0;
	(pc) =	sbr.rel @p1 .LBB1_3-.Ltmp3, $4  }
0x36: {  	v0 =	vld [tilespmem:s18+$0x0];
	[tilespmem:s15+$0x0 ss:$0x81] =	vst.msk $0xffff, v1  }
0x37: {  	s15 =	sshra.s32 s19, $0x2;
	v1 =	vld [tilespmem:s18+$0xFFFFFFE0]  }
0x38: {  	s15 =	sadd.s32 s15, s16  }
0x39: {  	s18 =	sadd.s32 $0x40, s18;
	[tilespmem:s15+$0x1830 ss:$0x81] =	vst.msk $0xffff, v3  }
.Ltmp4:
0x3a: {  	_ = 	snop;
	(pc) =	sbr.rel .LBB1_4-.Ltmp4, $1  }
0x3b: {  	_ =	sdelay $0x3  }
.LBB1_6:
0x3c: {  	_ =	sfence.sel $0x180000  }
0x3d: {  	s2 =	simm.s32 $0x1;
	[bflag:$0x0] =	sbarrier.arrive $0xFFFF  }
0x3e: {  	s31 =	simm.s32 $0x2;
	[sflag:s2] =	ssyncpa.u1 $0x1  }
0x3f: {  	[sflag:s31] =	ssyncpa.u1 $0x1  }
0x40: {  	p0 =	sne.s32 s0, $0x0;
	_ =	strace $0x9000004A  }
0x41: {  	s0 =	sadd.s32 @!p0 $0x100000, s1;
	[bflag:$0x2] =	sbarrier.arrive $0xFFFF  }
0x42: {  	[sflag:s0] =	ssyncadd.tile.s32 @!p0 $0x1;
	_ =	shalt  }
.Lfunc_end1:
_tile_overlayer_lowered:
.L_overlay_start_2:
0x43: {  	(tag) =	ssettag $0x2  }
0x44: {  	s0 =	rddreg [dreg:$0x0];
	s2 =	stileid.u32  }
0x45: {  	s1 =	rddreg [dreg:$0x1];
	p0 =	sne.s32 s2, $0x0  }
0x46: {  	s3 =	rddreg [dreg:$0x2];
	[bflag:$0x3] =	sbarrier.arrive $0xFFFF;
	s2 =	simm.s32 @!p0 $0x1C01  }
0x47: {  	[timem:s3], [sflag:s2] =	dma.local @!p0 [hbm:s0], s1  }
0x48: {  	s0 =	simm.s32 @!p0 $0x1  }
0x49: {  	_ =	swait.ge @!p0 [sflag:s0], s1  }
0x4a: {  	s1 =	ssub.s32 @!p0 $0x0, s1;
	[sflag:s0] =	ssyncset.done @!p0 $0x0  }
0x4b: {  	[sflag:s0] =	ssyncadd.s32 @!p0 s1  }
0x4c: {  	[bflag:$0x3] =	sbarrier.arrive $0xFFFF  }
0x4d: {  	_ =	shalt  }

</sc_bundles>
